<compile_context>
chip_gen: v7x
topology: tpu7x:2x2x1
jax: 0.10.2.dev20260603
libtpu: 0.0.44.dev20260713+nightly
codegen_flags: <defaults>
</compile_context>

<pallas_src>
import functools

import jax
import jax.numpy as jnp
from jax import lax
from jax.experimental import pallas as pl
from jax.experimental.pallas import tpu as pltpu
from jax.experimental.pallas import tpu_sc as plsc

_N = 10000
_E = 320000
_D = 128
_NC = 2
_NS = 16
_NW = _NC * _NS
_EPW = _E // _NW
_CH = 40
_NIT = _EPW // _CH
_NPH = 2
_NITH = _NIT // _NPH
_NP = 10240
_RPW = _NP // _NS
_DW = 128

@functools.lru_cache(maxsize=None)
def _sc_mesh():
    return plsc.VectorSubcoreMesh(core_axis_name="c", subcore_axis_name="s",
                                  num_cores=_NC, num_subcores=_NS)


def _deg_body(col4_hbm, ones_hbm, zeros_hbm, degp_hbm,
              cidx_half, ones_v, isem, ssem, deg_sp):
    c = lax.axis_index("c")
    s = lax.axis_index("s")
    wid = s * _NC + c
    pltpu.sync_copy(zeros_hbm.at[pl.ds(s * _RPW, _RPW)],
                    deg_sp.at[pl.ds(s * _RPW, _RPW)])
    pltpu.sync_copy(ones_hbm, ones_v)
    pltpu.sync_copy(col4_hbm.at[wid, 0], cidx_half)
    plsc.subcore_barrier()
    for ph in range(_NPH):
        pltpu.async_copy(ones_v, deg_sp.at[cidx_half.at[0]], ssem, add=True)
        pltpu.async_copy(ones_v, deg_sp.at[cidx_half.at[1]], ssem, add=True)

        def step(i, carry):
            pltpu.make_async_copy(ones_v, deg_sp.at[cidx_half.at[i]], ssem).wait()
            pltpu.async_copy(ones_v, deg_sp.at[cidx_half.at[i]], ssem, add=True)
            return carry

        lax.fori_loop(2, _NITH, step, 0)
        pltpu.make_async_copy(ones_v, deg_sp.at[cidx_half.at[0]], ssem).wait()
        pltpu.make_async_copy(ones_v, deg_sp.at[cidx_half.at[0]], ssem).wait()
        if ph + 1 < _NPH:
            pltpu.sync_copy(col4_hbm.at[wid, ph + 1], cidx_half)
    plsc.subcore_barrier()
    pltpu.sync_copy(deg_sp.at[pl.ds(s * _RPW, _RPW)],
                    degp_hbm.at[c, pl.ds(s * _RPW, _RPW)])


@functools.lru_cache(maxsize=None)
def _make_deg_kernel(interpret=False):
    return pl.kernel(
        _deg_body,
        out_type=jax.ShapeDtypeStruct((_NC, _NP, _DW), jnp.float32),
        mesh=_sc_mesh(),
        scratch_types=[
            pltpu.VMEM((_NITH, _CH), jnp.int32),
            pltpu.VMEM((_CH, _DW), jnp.float32),
            pltpu.SemaphoreType.DMA,
            pltpu.SemaphoreType.DMA,
            pltpu.VMEM_SHARED((_NP, _DW), jnp.float32),
        ],
        interpret=interpret,
    )





def _spmm_body(row4_hbm, col_hbm, y_hbm, zeros_hbm, accp_hbm,
               cidx_all, ridx_half, rows0, rows1, rows2,
               isem0, isem1, gs0, gs1, gs2, ss0, ss1, ss2, acc_sp):
    c = lax.axis_index("c")
    s = lax.axis_index("s")
    wid = s * _NC + c
    pltpu.async_copy(col_hbm.at[pl.ds(wid * _EPW, _EPW)], cidx_all, isem0)
    pltpu.async_copy(row4_hbm.at[wid, 0], ridx_half, isem1)
    pltpu.sync_copy(zeros_hbm.at[pl.ds(s * _RPW, _RPW)],
                    acc_sp.at[pl.ds(s * _RPW, _RPW)])
    pltpu.make_async_copy(col_hbm.at[pl.ds(wid * _EPW, _EPW)], cidx_all,
                          isem0).wait()
    pltpu.make_async_copy(row4_hbm.at[wid, 0], ridx_half, isem1).wait()
    plsc.subcore_barrier()

    rows = (rows0, rows1, rows2)
    gsem = (gs0, gs1, gs2)
    ssem = (ss0, ss1, ss2)

    def gidx(k):
        return cidx_all.at[pl.ds(k * _CH, _CH)]

    def fire_g(q, b, cb):
        pltpu.async_copy(y_hbm.at[gidx(cb + q)], rows[b], gsem[b])

    def wait_g(q, b, cb):
        pltpu.make_async_copy(y_hbm.at[gidx(cb + q)], rows[b], gsem[b]).wait()

    def fire_s(i, b):
        pltpu.async_copy(rows[b], acc_sp.at[ridx_half.at[i]], ssem[b],
                         add=True)

    def wait_s(i, b):
        pltpu.make_async_copy(rows[b], acc_sp.at[ridx_half.at[i]],
                              ssem[b]).wait()

    for ph in range(_NPH):
        cb = ph * _NITH
        fire_g(0, 0, cb)
        fire_g(1, 1, cb)
        wait_g(0, 0, cb); fire_s(0, 0); fire_g(2, 2, cb)
        wait_g(1, 1, cb); fire_s(1, 1); wait_s(0, 0); fire_g(3, 0, cb)
        wait_g(2, 2, cb); fire_s(2, 2); wait_s(1, 1); fire_g(4, 1, cb)

        def trip(k, carry):
            q = 3 * k
            wait_g(q, 0, cb); fire_s(q, 0); wait_s(q - 1, 2)
            fire_g(q + 2, 2, cb)
            wait_g(q + 1, 1, cb); fire_s(q + 1, 1); wait_s(q, 0)
            fire_g(q + 3, 0, cb)
            wait_g(q + 2, 2, cb); fire_s(q + 2, 2); wait_s(q + 1, 1)
            fire_g(q + 4, 1, cb)
            return carry

        lax.fori_loop(1, (_NITH - 5) // 3 + 1, trip, 0)
        wait_g(_NITH - 2, 0, cb); fire_s(_NITH - 2, 0); wait_s(_NITH - 3, 2)
        wait_g(_NITH - 1, 1, cb); fire_s(_NITH - 1, 1)
        wait_s(_NITH - 2, 0)
        wait_s(_NITH - 1, 1)
        if ph + 1 < _NPH:
            pltpu.sync_copy(row4_hbm.at[wid, ph + 1], ridx_half)
    plsc.subcore_barrier()
    pltpu.sync_copy(acc_sp.at[pl.ds(s * _RPW, _RPW)],
                    accp_hbm.at[c, pl.ds(s * _RPW, _RPW)])


@functools.lru_cache(maxsize=None)
def _make_spmm_kernel(interpret=False):
    return pl.kernel(
        _spmm_body,
        out_type=jax.ShapeDtypeStruct((_NC, _NP, _D), jnp.float32),
        mesh=_sc_mesh(),
        scratch_types=[
            pltpu.VMEM((_EPW,), jnp.int32),
            pltpu.VMEM((_NITH, _CH), jnp.int32),
            pltpu.VMEM((_CH, _D), jnp.float32),
            pltpu.VMEM((_CH, _D), jnp.float32),
            pltpu.VMEM((_CH, _D), jnp.float32),
            pltpu.SemaphoreType.DMA,
            pltpu.SemaphoreType.DMA,
            pltpu.SemaphoreType.DMA,
            pltpu.SemaphoreType.DMA,
            pltpu.SemaphoreType.DMA,
            pltpu.SemaphoreType.DMA,
            pltpu.SemaphoreType.DMA,
            pltpu.SemaphoreType.DMA,
            pltpu.VMEM_SHARED((_NP, _D), jnp.float32),
        ],
        interpret=interpret,
    )


_BLK = 1000


def _tc1_body(x_ref, w_ref, degp_ref, y_ref):
    i = pl.program_id(0)
    xw = jnp.dot(x_ref[...], w_ref[...], preferred_element_type=jnp.float32)
    deg = (degp_ref[0, pl.ds(i * _BLK, _BLK), 0:1]
           + degp_ref[1, pl.ds(i * _BLK, _BLK), 0:1] + 1.0)
    y_ref[...] = xw * (1.0 / jnp.sqrt(deg))


_tc1 = pl.pallas_call(
    _tc1_body,
    grid=(_N // _BLK,),
    in_specs=[
        pl.BlockSpec((_BLK, _D), lambda i: (i, 0)),
        pl.BlockSpec((_D, _D), lambda i: (0, 0)),
        pl.BlockSpec((_NC, _NP, _DW), lambda i: (0, 0, 0)),
    ],
    out_specs=pl.BlockSpec((_BLK, _D), lambda i: (i, 0)),
    out_shape=jax.ShapeDtypeStruct((_N, _D), jnp.float32),
)


def _tc2_body(accp_ref, y_ref, degp_ref, bias_ref, out_ref):
    i = pl.program_id(0)
    sl = pl.ds(i * _BLK, _BLK)
    acc = accp_ref[0, sl, :] + accp_ref[1, sl, :] + y_ref[...]
    deg = degp_ref[0, sl, 0:1] + degp_ref[1, sl, 0:1] + 1.0
    out_ref[...] = acc * (1.0 / jnp.sqrt(deg)) + bias_ref[...]


_tc2 = pl.pallas_call(
    _tc2_body,
    grid=(_N // _BLK,),
    in_specs=[
        pl.BlockSpec((_NC, _NP, _D), lambda i: (0, 0, 0)),
        pl.BlockSpec((_BLK, _D), lambda i: (i, 0)),
        pl.BlockSpec((_NC, _NP, _DW), lambda i: (0, 0, 0)),
        pl.BlockSpec((1, _D), lambda i: (0, 0)),
    ],
    out_specs=pl.BlockSpec((_BLK, _D), lambda i: (i, 0)),
    out_shape=jax.ShapeDtypeStruct((_N, _D), jnp.float32),
)


def kernel(x, edge_index, W, bias):
    ei = edge_index.astype(jnp.int32)
    row4 = ei[0].reshape(_NW, _NPH, _NITH, _CH)
    col = ei[1]
    col4 = col.reshape(_NW, _NPH, _NITH, _CH)
    ones_dw = jnp.ones((_CH, _DW), jnp.float32)
    zeros_d = jnp.zeros((_NP, _D), jnp.float32)
    degp = _make_deg_kernel()(col4, ones_dw, zeros_d)
    y = _tc1(x, W, degp)
    accp = _make_spmm_kernel()(row4, col, y, zeros_d)
    return _tc2(accp, y, degp, bias.reshape(1, _D))

# --- scband reference (transcript-rebuilt; emitter-appended) ---
"""Pipeline reference for scband-gcncustom-conv-51788715655556 (READ-ONLY COPY).

The authoritative reference and input builder live on the scoring server;
editing this copy changes nothing except your own understanding.
"""

import jax, jax.numpy as jnp
import numpy as np

N_NODES = 10000
N_EDGES = 320000
D_IN = 128
D_OUT = 128


def gcn_norm(edge_index, edge_weight, num_nodes):
    # add self loops with fill value 1.0
    loop_index = jnp.arange(num_nodes, dtype=edge_index.dtype)
    loop_index = jnp.stack([loop_index, loop_index], axis=0)
    edge_index = jnp.concatenate([edge_index, loop_index], axis=1)
    if edge_weight is None:
        edge_weight = jnp.ones((edge_index.shape[1],), dtype=jnp.float32)
    else:
        edge_weight = jnp.concatenate(
            [edge_weight, jnp.ones((num_nodes,), dtype=edge_weight.dtype)], axis=0)
    row, col = edge_index[0], edge_index[1]
    deg = jax.ops.segment_sum(edge_weight, col, num_segments=num_nodes)
    deg_inv_sqrt = jnp.where(deg > 0, 1.0 / jnp.sqrt(deg), 0.0)
    norm = deg_inv_sqrt[row] * edge_weight * deg_inv_sqrt[col]
    return edge_index, norm


def spmm(edge_index, value, m, x):
    # out[row] += value * x[col]  (sparse [m x n] times dense [n x d])
    row, col = edge_index[0], edge_index[1]
    gathered = x[col] * value[:, None]
    return jnp.zeros((m, x.shape[1]), dtype=x.dtype).at[row].add(gathered)


def setup_inputs(seed: int = 0) -> dict:
    key = jax.random.key(seed)
    k1, k2, k3, k4 = jax.random.split(key, 4)
    x = jax.random.normal(k1, (N_NODES, D_IN), dtype=jnp.float32)
    edge_index = jax.random.randint(k2, (2, N_EDGES), 0, N_NODES, dtype=jnp.int64)
    # glorot-initialized linear weight (no bias in lin)
    limit = float(np.sqrt(6.0 / (D_IN + D_OUT)))
    W = jax.random.uniform(k3, (D_IN, D_OUT), dtype=jnp.float32,
                           minval=-limit, maxval=limit)
    bias = jnp.zeros((D_OUT,), dtype=jnp.float32)
    return {"x": x, "edge_index": edge_index, "W": W, "bias": bias}


def reference(x, edge_index, W, bias):
    # x = self.lin(x)
    x = x @ W
    # edge_index, edge_weight = gcn_norm(edge_index, edge_weight, x.size(0))
    ei, norm = gcn_norm(edge_index, None, x.shape[0])
    # propagate_features=True -> torch_sparse.spmm
    out = spmm(ei, norm, x.shape[0], x)
    # bias add
    out = out + bias
    return out


if False:  # reference __main__ guard neutralized (emitter)
    inp = setup_inputs()
    out = reference(**inp)
    print(out.shape, out.dtype)

if __name__ == "__main__":
    import jax
    _d = setup_inputs()
    print(jax.jit(kernel)(*tuple(_d.values())))

</pallas_src>

<mosaic_0001>
#map = affine_map<(d0, d1) -> (0, 0, 0, 0)>
#map1 = affine_map<(d0, d1) -> (0)>
#map2 = affine_map<(d0, d1) -> (0, 0)>
#map3 = affine_map<(d0, d1) -> (0, 0, 0)>
module attributes {stable_mosaic.version = 14 : i64} {
  func.func @_spmm_body(%arg0: i32, %arg1: i32, %arg2: memref<32x2x125x40xi32, #tpu.memory_space<hbm>>, %arg3: memref<320000xi32, #tpu.memory_space<hbm>>, %arg4: memref<10000x128xf32, #tpu.memory_space<hbm>>, %arg5: memref<10240x128xf32, #tpu.memory_space<hbm>>, %arg6: memref<2x10240x128xf32, #tpu.memory_space<hbm>>, %arg7: memref<10000xi32, #tpu.memory_space<vmem>>, %arg8: memref<125x40xi32, #tpu.memory_space<vmem>>, %arg9: memref<40x128xf32, #tpu.memory_space<vmem>>, %arg10: memref<40x128xf32, #tpu.memory_space<vmem>>, %arg11: memref<40x128xf32, #tpu.memory_space<vmem>>, %arg12: memref<!tpu.dma_semaphore, #tpu.memory_space<semaphore_mem>>, %arg13: memref<!tpu.dma_semaphore, #tpu.memory_space<semaphore_mem>>, %arg14: memref<!tpu.dma_semaphore, #tpu.memory_space<semaphore_mem>>, %arg15: memref<!tpu.dma_semaphore, #tpu.memory_space<semaphore_mem>>, %arg16: memref<!tpu.dma_semaphore, #tpu.memory_space<semaphore_mem>>, %arg17: memref<!tpu.dma_semaphore, #tpu.memory_space<semaphore_mem>>, %arg18: memref<!tpu.dma_semaphore, #tpu.memory_space<semaphore_mem>>, %arg19: memref<!tpu.dma_semaphore, #tpu.memory_space<semaphore_mem>>, %arg20: memref<10240x128xf32, #tpu.memory_space<vmem_shared>>) attributes {dimension_semantics = [#tpu.dimension_semantics<core_parallel>, #tpu.dimension_semantics<subcore_parallel>], iteration_bounds = array<i64: 2, 16>, scalar_prefetch = 0 : i64, scratch_operands = 14 : i64, tpu.core_type = #tpu.core_type<sc_vector_subcore>, window_params = [{transform_indices = #map}, {transform_indices = #map1}, {transform_indices = #map2}, {transform_indices = #map2}, {transform_indices = #map3}]} {
    %mul3A = arith.constant 2 : i32
    %mul3A_0 = arith.muli %arg1, %mul3A : i32
    %add3A = arith.addi %mul3A_0, %arg0 : i32
    %mul3A_1 = arith.constant 10000 : i32
    %mul3A_2 = arith.muli %add3A, %mul3A_1 : i32
    %dma_start3A = tpu.memref_slice %arg3[%mul3A_2] : memref<320000xi32, #tpu.memory_space<hbm>> -> memref<10000xi32, #tpu.memory_space<hbm>>
    %dma_start3A_3 = tpu.memref_slice %arg3[%mul3A_2] : memref<320000xi32, #tpu.memory_space<hbm>> -> memref<10000xi32, #tpu.memory_space<hbm>>
    tpu.enqueue_dma source(%dma_start3A_3 : memref<10000xi32, #tpu.memory_space<hbm>>) target(%arg7 : memref<10000xi32, #tpu.memory_space<vmem>>) target_semaphore(%arg12 : memref<!tpu.dma_semaphore, #tpu.memory_space<semaphore_mem>>)
    %dma_start3A_4 = arith.constant 0 : i32
    %dma_start3A_5 = arith.constant 0 : i32
    %dma_start3A_6 = arith.constant 0 : i32
    %dma_start3A_7 = tpu.memref_slice %arg2[%add3A, %dma_start3A_4, %dma_start3A_5, %dma_start3A_6] : memref<32x2x125x40xi32, #tpu.memory_space<hbm>> -> memref<1x1x125x40xi32, #tpu.memory_space<hbm>>
    %dma_start3A_8 = tpu.memref_squeeze %dma_start3A_7 : memref<1x1x125x40xi32, #tpu.memory_space<hbm>> -> memref<125x40xi32, #tpu.memory_space<hbm>>
    %dma_start3A_9 = arith.constant 0 : i32
    %dma_start3A_10 = arith.constant 0 : i32
    %dma_start3A_11 = tpu.memref_slice %arg2[%add3A, %dma_start3A_4, %dma_start3A_9, %dma_start3A_10] : memref<32x2x125x40xi32, #tpu.memory_space<hbm>> -> memref<1x1x125x40xi32, #tpu.memory_space<hbm>>
    %dma_start3A_12 = tpu.memref_squeeze %dma_start3A_11 : memref<1x1x125x40xi32, #tpu.memory_space<hbm>> -> memref<125x40xi32, #tpu.memory_space<hbm>>
    tpu.enqueue_dma source(%dma_start3A_12 : memref<125x40xi32, #tpu.memory_space<hbm>>) target(%arg8 : memref<125x40xi32, #tpu.memory_space<vmem>>) target_semaphore(%arg13 : memref<!tpu.dma_semaphore, #tpu.memory_space<semaphore_mem>>)
    %mul3A_13 = arith.constant 640 : i32
    %mul3A_14 = arith.muli %arg1, %mul3A_13 : i32
    %mul3A_15 = arith.constant 640 : i32
    %mul3A_16 = arith.muli %arg1, %mul3A_15 : i32
    "tpu.region"() ({
      %run_scoped3A_285 = tpu.sem_alloc : memref<!tpu.dma_semaphore, #tpu.memory_space<semaphore_mem>>
      %dma_start3A_286 = arith.constant 0 : i32
      %dma_start3A_287 = tpu.memref_slice %arg20[%mul3A_16, %dma_start3A_286] : memref<10240x128xf32, #tpu.memory_space<vmem_shared>> -> memref<640x128xf32, #tpu.memory_space<vmem_shared>>
      %dma_start3A_288 = arith.constant 0 : i32
      %dma_start3A_289 = tpu.memref_slice %arg5[%mul3A_14, %dma_start3A_288] : memref<10240x128xf32, #tpu.memory_space<hbm>> -> memref<640x128xf32, #tpu.memory_space<hbm>>
      tpu.enqueue_dma source(%dma_start3A_289 : memref<640x128xf32, #tpu.memory_space<hbm>>) target(%dma_start3A_287 : memref<640x128xf32, #tpu.memory_space<vmem_shared>>) target_semaphore(%run_scoped3A_285 : memref<!tpu.dma_semaphore, #tpu.memory_space<semaphore_mem>>)
      %dma_wait3A_290 = arith.constant 0 : i32
      %dma_wait3A_291 = tpu.memref_slice %arg20[%mul3A_16, %dma_wait3A_290] : memref<10240x128xf32, #tpu.memory_space<vmem_shared>> -> memref<640x128xf32, #tpu.memory_space<vmem_shared>>
      %dma_wait3A_292 = arith.constant 0 : i32
      %dma_wait3A_293 = tpu.memref_slice %arg5[%mul3A_14, %dma_wait3A_292] : memref<10240x128xf32, #tpu.memory_space<hbm>> -> memref<640x128xf32, #tpu.memory_space<hbm>>
      tpu.wait_dma2 semaphore(%run_scoped3A_285 : memref<!tpu.dma_semaphore, #tpu.memory_space<semaphore_mem>>) src(%dma_wait3A_293 : memref<640x128xf32, #tpu.memory_space<hbm>>) dst(%dma_wait3A_291 : memref<640x128xf32, #tpu.memory_space<vmem_shared>>)
      tpu.yield
    }) : () -> ()
    %mul3A_17 = arith.constant 10000 : i32
    %mul3A_18 = arith.muli %add3A, %mul3A_17 : i32
    %dma_wait3A = tpu.memref_slice %arg3[%mul3A_18] : memref<320000xi32, #tpu.memory_space<hbm>> -> memref<10000xi32, #tpu.memory_space<hbm>>
    %dma_wait3A_19 = tpu.memref_slice %arg3[%mul3A_18] : memref<320000xi32, #tpu.memory_space<hbm>> -> memref<10000xi32, #tpu.memory_space<hbm>>
    tpu.wait_dma2 semaphore(%arg12 : memref<!tpu.dma_semaphore, #tpu.memory_space<semaphore_mem>>) src(%dma_wait3A_19 : memref<10000xi32, #tpu.memory_space<hbm>>) dst(%arg7 : memref<10000xi32, #tpu.memory_space<vmem>>)
    %dma_wait3A_20 = arith.constant 0 : i32
    %dma_wait3A_21 = arith.constant 0 : i32
    %dma_wait3A_22 = arith.constant 0 : i32
    %dma_wait3A_23 = tpu.memref_slice %arg2[%add3A, %dma_wait3A_20, %dma_wait3A_21, %dma_wait3A_22] : memref<32x2x125x40xi32, #tpu.memory_space<hbm>> -> memref<1x1x125x40xi32, #tpu.memory_space<hbm>>
    %dma_wait3A_24 = tpu.memref_squeeze %dma_wait3A_23 : memref<1x1x125x40xi32, #tpu.memory_space<hbm>> -> memref<125x40xi32, #tpu.memory_space<hbm>>
    %dma_wait3A_25 = arith.constant 0 : i32
    %dma_wait3A_26 = arith.constant 0 : i32
    %dma_wait3A_27 = tpu.memref_slice %arg2[%add3A, %dma_wait3A_20, %dma_wait3A_25, %dma_wait3A_26] : memref<32x2x125x40xi32, #tpu.memory_space<hbm>> -> memref<1x1x125x40xi32, #tpu.memory_space<hbm>>
    %dma_wait3A_28 = tpu.memref_squeeze %dma_wait3A_27 : memref<1x1x125x40xi32, #tpu.memory_space<hbm>> -> memref<125x40xi32, #tpu.memory_space<hbm>>
    tpu.wait_dma2 semaphore(%arg13 : memref<!tpu.dma_semaphore, #tpu.memory_space<semaphore_mem>>) src(%dma_wait3A_28 : memref<125x40xi32, #tpu.memory_space<hbm>>) dst(%arg8 : memref<125x40xi32, #tpu.memory_space<vmem>>)
    %barrier3A = arith.constant 0 : index
    tpu.barrier barrier_id(%barrier3A)
    %dma_start3A_29 = arith.constant 0 : i32
    %dma_start3A_30 = tpu.memref_slice %arg7[%dma_start3A_29] : memref<10000xi32, #tpu.memory_space<vmem>> -> memref<40xi32, #tpu.memory_space<vmem>>
    %dma_start3A_31 = arith.constant 0 : i32
    %dma_start3A_32 = arith.constant 0 : i32
    %dma_start3A_33 = tpu.memref_slice %arg4[%dma_start3A_31, %dma_start3A_32] : memref<10000x128xf32, #tpu.memory_space<hbm>> -> memref<10000x128xf32, #tpu.memory_space<hbm>>
    tpu.enqueue_indirect_dma source(%dma_start3A_33 : memref<10000x128xf32, #tpu.memory_space<hbm>>) target(%arg9 : memref<40x128xf32, #tpu.memory_space<vmem>>) offsets(%dma_start3A_30 : memref<40xi32, #tpu.memory_space<vmem>>) semaphore(%arg14 : memref<!tpu.dma_semaphore, #tpu.memory_space<semaphore_mem>>)
    %dma_start3A_34 = arith.constant 40 : i32
    %dma_start3A_35 = tpu.memref_slice %arg7[%dma_start3A_34] : memref<10000xi32, #tpu.memory_space<vmem>> -> memref<40xi32, #tpu.memory_space<vmem>>
    %dma_start3A_36 = arith.constant 0 : i32
    %dma_start3A_37 = arith.constant 0 : i32
    %dma_start3A_38 = tpu.memref_slice %arg4[%dma_start3A_36, %dma_start3A_37] : memref<10000x128xf32, #tpu.memory_space<hbm>> -> memref<10000x128xf32, #tpu.memory_space<hbm>>
    tpu.enqueue_indirect_dma source(%dma_start3A_38 : memref<10000x128xf32, #tpu.memory_space<hbm>>) target(%arg10 : memref<40x128xf32, #tpu.memory_space<vmem>>) offsets(%dma_start3A_35 : memref<40xi32, #tpu.memory_space<vmem>>) semaphore(%arg15 : memref<!tpu.dma_semaphore, #tpu.memory_space<semaphore_mem>>)
    %dma_wait3A_39 = arith.constant 0 : i32
    %dma_wait3A_40 = tpu.memref_slice %arg7[%dma_wait3A_39] : memref<10000xi32, #tpu.memory_space<vmem>> -> memref<40xi32, #tpu.memory_space<vmem>>
    %dma_wait3A_41 = arith.constant 0 : i32
    %dma_wait3A_42 = arith.constant 0 : i32
    %dma_wait3A_43 = tpu.memref_slice %arg4[%dma_wait3A_41, %dma_wait3A_42] : memref<10000x128xf32, #tpu.memory_space<hbm>> -> memref<10000x128xf32, #tpu.memory_space<hbm>>
    tpu.wait_indirect_dma semaphore(%arg14 : memref<!tpu.dma_semaphore, #tpu.memory_space<semaphore_mem>>) src(%dma_wait3A_43 : memref<10000x128xf32, #tpu.memory_space<hbm>>) dst(%arg9 : memref<40x128xf32, #tpu.memory_space<vmem>>)
    %dma_start3A_44 = arith.constant 0 : i32
    %dma_start3A_45 = arith.constant 0 : i32
    %dma_start3A_46 = tpu.memref_slice %arg8[%dma_start3A_44, %dma_start3A_45] : memref<125x40xi32, #tpu.memory_space<vmem>> -> memref<1x40xi32, #tpu.memory_space<vmem>>
    %dma_start3A_47 = tpu.memref_squeeze %dma_start3A_46 : memref<1x40xi32, #tpu.memory_space<vmem>> -> memref<40xi32, #tpu.memory_space<vmem>>
    %dma_start3A_48 = arith.constant 0 : i32
    %dma_start3A_49 = arith.constant 0 : i32
    %dma_start3A_50 = tpu.memref_slice %arg20[%dma_start3A_48, %dma_start3A_49] : memref<10240x128xf32, #tpu.memory_space<vmem_shared>> -> memref<10240x128xf32, #tpu.memory_space<vmem_shared>>
    tpu.enqueue_indirect_dma source(%arg9 : memref<40x128xf32, #tpu.memory_space<vmem>>) target(%dma_start3A_50 : memref<10240x128xf32, #tpu.memory_space<vmem_shared>>) offsets(%dma_start3A_47 : memref<40xi32, #tpu.memory_space<vmem>>) semaphore(%arg17 : memref<!tpu.dma_semaphore, #tpu.memory_space<semaphore_mem>>) {add = true}
    %dma_start3A_51 = arith.constant 80 : i32
    %dma_start3A_52 = tpu.memref_slice %arg7[%dma_start3A_51] : memref<10000xi32, #tpu.memory_space<vmem>> -> memref<40xi32, #tpu.memory_space<vmem>>
    %dma_start3A_53 = arith.constant 0 : i32
    %dma_start3A_54 = arith.constant 0 : i32
    %dma_start3A_55 = tpu.memref_slice %arg4[%dma_start3A_53, %dma_start3A_54] : memref<10000x128xf32, #tpu.memory_space<hbm>> -> memref<10000x128xf32, #tpu.memory_space<hbm>>
    tpu.enqueue_indirect_dma source(%dma_start3A_55 : memref<10000x128xf32, #tpu.memory_space<hbm>>) target(%arg11 : memref<40x128xf32, #tpu.memory_space<vmem>>) offsets(%dma_start3A_52 : memref<40xi32, #tpu.memory_space<vmem>>) semaphore(%arg16 : memref<!tpu.dma_semaphore, #tpu.memory_space<semaphore_mem>>)
    %dma_wait3A_56 = arith.constant 40 : i32
    %dma_wait3A_57 = tpu.memref_slice %arg7[%dma_wait3A_56] : memref<10000xi32, #tpu.memory_space<vmem>> -> memref<40xi32, #tpu.memory_space<vmem>>
    %dma_wait3A_58 = arith.constant 0 : i32
    %dma_wait3A_59 = arith.constant 0 : i32
    %dma_wait3A_60 = tpu.memref_slice %arg4[%dma_wait3A_58, %dma_wait3A_59] : memref<10000x128xf32, #tpu.memory_space<hbm>> -> memref<10000x128xf32, #tpu.memory_space<hbm>>
    tpu.wait_indirect_dma semaphore(%arg15 : memref<!tpu.dma_semaphore, #tpu.memory_space<semaphore_mem>>) src(%dma_wait3A_60 : memref<10000x128xf32, #tpu.memory_space<hbm>>) dst(%arg10 : memref<40x128xf32, #tpu.memory_space<vmem>>)
    %dma_start3A_61 = arith.constant 1 : i32
    %dma_start3A_62 = arith.constant 0 : i32
    %dma_start3A_63 = tpu.memref_slice %arg8[%dma_start3A_61, %dma_start3A_62] : memref<125x40xi32, #tpu.memory_space<vmem>> -> memref<1x40xi32, #tpu.memory_space<vmem>>
    %dma_start3A_64 = tpu.memref_squeeze %dma_start3A_63 : memref<1x40xi32, #tpu.memory_space<vmem>> -> memref<40xi32, #tpu.memory_space<vmem>>
    %dma_start3A_65 = arith.constant 0 : i32
    %dma_start3A_66 = arith.constant 0 : i32
    %dma_start3A_67 = tpu.memref_slice %arg20[%dma_start3A_65, %dma_start3A_66] : memref<10240x128xf32, #tpu.memory_space<vmem_shared>> -> memref<10240x128xf32, #tpu.memory_space<vmem_shared>>
    tpu.enqueue_indirect_dma source(%arg10 : memref<40x128xf32, #tpu.memory_space<vmem>>) target(%dma_start3A_67 : memref<10240x128xf32, #tpu.memory_space<vmem_shared>>) offsets(%dma_start3A_64 : memref<40xi32, #tpu.memory_space<vmem>>) semaphore(%arg18 : memref<!tpu.dma_semaphore, #tpu.memory_space<semaphore_mem>>) {add = true}
    %dma_wait3A_68 = arith.constant 0 : i32
    %dma_wait3A_69 = arith.constant 0 : i32
    %dma_wait3A_70 = tpu.memref_slice %arg8[%dma_wait3A_68, %dma_wait3A_69] : memref<125x40xi32, #tpu.memory_space<vmem>> -> memref<1x40xi32, #tpu.memory_space<vmem>>
    %dma_wait3A_71 = tpu.memref_squeeze %dma_wait3A_70 : memref<1x40xi32, #tpu.memory_space<vmem>> -> memref<40xi32, #tpu.memory_space<vmem>>
    %dma_wait3A_72 = arith.constant 0 : i32
    %dma_wait3A_73 = arith.constant 0 : i32
    %dma_wait3A_74 = tpu.memref_slice %arg20[%dma_wait3A_72, %dma_wait3A_73] : memref<10240x128xf32, #tpu.memory_space<vmem_shared>> -> memref<10240x128xf32, #tpu.memory_space<vmem_shared>>
    tpu.wait_indirect_dma semaphore(%arg17 : memref<!tpu.dma_semaphore, #tpu.memory_space<semaphore_mem>>) src(%arg9 : memref<40x128xf32, #tpu.memory_space<vmem>>) dst(%dma_wait3A_74 : memref<10240x128xf32, #tpu.memory_space<vmem_shared>>)
    %dma_start3A_75 = arith.constant 120 : i32
    %dma_start3A_76 = tpu.memref_slice %arg7[%dma_start3A_75] : memref<10000xi32, #tpu.memory_space<vmem>> -> memref<40xi32, #tpu.memory_space<vmem>>
    %dma_start3A_77 = arith.constant 0 : i32
    %dma_start3A_78 = arith.constant 0 : i32
    %dma_start3A_79 = tpu.memref_slice %arg4[%dma_start3A_77, %dma_start3A_78] : memref<10000x128xf32, #tpu.memory_space<hbm>> -> memref<10000x128xf32, #tpu.memory_space<hbm>>
    tpu.enqueue_indirect_dma source(%dma_start3A_79 : memref<10000x128xf32, #tpu.memory_space<hbm>>) target(%arg9 : memref<40x128xf32, #tpu.memory_space<vmem>>) offsets(%dma_start3A_76 : memref<40xi32, #tpu.memory_space<vmem>>) semaphore(%arg14 : memref<!tpu.dma_semaphore, #tpu.memory_space<semaphore_mem>>)
    %dma_wait3A_80 = arith.constant 80 : i32
    %dma_wait3A_81 = tpu.memref_slice %arg7[%dma_wait3A_80] : memref<10000xi32, #tpu.memory_space<vmem>> -> memref<40xi32, #tpu.memory_space<vmem>>
    %dma_wait3A_82 = arith.constant 0 : i32
    %dma_wait3A_83 = arith.constant 0 : i32
    %dma_wait3A_84 = tpu.memref_slice %arg4[%dma_wait3A_82, %dma_wait3A_83] : memref<10000x128xf32, #tpu.memory_space<hbm>> -> memref<10000x128xf32, #tpu.memory_space<hbm>>
    tpu.wait_indirect_dma semaphore(%arg16 : memref<!tpu.dma_semaphore, #tpu.memory_space<semaphore_mem>>) src(%dma_wait3A_84 : memref<10000x128xf32, #tpu.memory_space<hbm>>) dst(%arg11 : memref<40x128xf32, #tpu.memory_space<vmem>>)
    %dma_start3A_85 = arith.constant 2 : i32
    %dma_start3A_86 = arith.constant 0 : i32
    %dma_start3A_87 = tpu.memref_slice %arg8[%dma_start3A_85, %dma_start3A_86] : memref<125x40xi32, #tpu.memory_space<vmem>> -> memref<1x40xi32, #tpu.memory_space<vmem>>
    %dma_start3A_88 = tpu.memref_squeeze %dma_start3A_87 : memref<1x40xi32, #tpu.memory_space<vmem>> -> memref<40xi32, #tpu.memory_space<vmem>>
    %dma_start3A_89 = arith.constant 0 : i32
    %dma_start3A_90 = arith.constant 0 : i32
    %dma_start3A_91 = tpu.memref_slice %arg20[%dma_start3A_89, %dma_start3A_90] : memref<10240x128xf32, #tpu.memory_space<vmem_shared>> -> memref<10240x128xf32, #tpu.memory_space<vmem_shared>>
    tpu.enqueue_indirect_dma source(%arg11 : memref<40x128xf32, #tpu.memory_space<vmem>>) target(%dma_start3A_91 : memref<10240x128xf32, #tpu.memory_space<vmem_shared>>) offsets(%dma_start3A_88 : memref<40xi32, #tpu.memory_space<vmem>>) semaphore(%arg19 : memref<!tpu.dma_semaphore, #tpu.memory_space<semaphore_mem>>) {add = true}
    %dma_wait3A_92 = arith.constant 1 : i32
    %dma_wait3A_93 = arith.constant 0 : i32
    %dma_wait3A_94 = tpu.memref_slice %arg8[%dma_wait3A_92, %dma_wait3A_93] : memref<125x40xi32, #tpu.memory_space<vmem>> -> memref<1x40xi32, #tpu.memory_space<vmem>>
    %dma_wait3A_95 = tpu.memref_squeeze %dma_wait3A_94 : memref<1x40xi32, #tpu.memory_space<vmem>> -> memref<40xi32, #tpu.memory_space<vmem>>
    %dma_wait3A_96 = arith.constant 0 : i32
    %dma_wait3A_97 = arith.constant 0 : i32
    %dma_wait3A_98 = tpu.memref_slice %arg20[%dma_wait3A_96, %dma_wait3A_97] : memref<10240x128xf32, #tpu.memory_space<vmem_shared>> -> memref<10240x128xf32, #tpu.memory_space<vmem_shared>>
    tpu.wait_indirect_dma semaphore(%arg18 : memref<!tpu.dma_semaphore, #tpu.memory_space<semaphore_mem>>) src(%arg10 : memref<40x128xf32, #tpu.memory_space<vmem>>) dst(%dma_wait3A_98 : memref<10240x128xf32, #tpu.memory_space<vmem_shared>>)
    %dma_start3A_99 = arith.constant 160 : i32
    %dma_start3A_100 = tpu.memref_slice %arg7[%dma_start3A_99] : memref<10000xi32, #tpu.memory_space<vmem>> -> memref<40xi32, #tpu.memory_space<vmem>>
    %dma_start3A_101 = arith.constant 0 : i32
    %dma_start3A_102 = arith.constant 0 : i32
    %dma_start3A_103 = tpu.memref_slice %arg4[%dma_start3A_101, %dma_start3A_102] : memref<10000x128xf32, #tpu.memory_space<hbm>> -> memref<10000x128xf32, #tpu.memory_space<hbm>>
    tpu.enqueue_indirect_dma source(%dma_start3A_103 : memref<10000x128xf32, #tpu.memory_space<hbm>>) target(%arg10 : memref<40x128xf32, #tpu.memory_space<vmem>>) offsets(%dma_start3A_100 : memref<40xi32, #tpu.memory_space<vmem>>) semaphore(%arg15 : memref<!tpu.dma_semaphore, #tpu.memory_space<semaphore_mem>>)
    %scan3A = arith.constant 0 : i32
    %scan3A_104 = arith.constant 1 : i32
    %scan3A_105 = arith.constant 40 : i32
    %scan3A_106 = arith.addi %scan3A_104, %scan3A_105 : i32
    %scan3A_107 = arith.constant 1 : i32
    scf.for %scan3A_285 = %scan3A_104 to %scan3A_106 step %scan3A_107  : i32 {
      %mul3A_286 = arith.constant 3 : i32
      %mul3A_287 = arith.muli %mul3A_286, %scan3A_285 : i32
      %add3A_288 = arith.constant 0 : i32
      %add3A_289 = arith.addi %add3A_288, %mul3A_287 : i32
      %mul3A_290 = arith.constant 40 : i32
      %mul3A_291 = arith.muli %add3A_289, %mul3A_290 : i32
      %dma_wait3A_292 = tpu.memref_slice %arg7[%mul3A_291] : memref<10000xi32, #tpu.memory_space<vmem>> -> memref<40xi32, #tpu.memory_space<vmem>>
      %dma_wait3A_293 = arith.constant 0 : i32
      %dma_wait3A_294 = arith.constant 0 : i32
      %dma_wait3A_295 = tpu.memref_slice %arg4[%dma_wait3A_293, %dma_wait3A_294] : memref<10000x128xf32, #tpu.memory_space<hbm>> -> memref<10000x128xf32, #tpu.memory_space<hbm>>
      tpu.wait_indirect_dma semaphore(%arg14 : memref<!tpu.dma_semaphore, #tpu.memory_space<semaphore_mem>>) src(%dma_wait3A_295 : memref<10000x128xf32, #tpu.memory_space<hbm>>) dst(%arg9 : memref<40x128xf32, #tpu.memory_space<vmem>>)
      %dma_start3A_296 = arith.constant 0 : i32
      %dma_start3A_297 = tpu.memref_slice %arg8[%mul3A_287, %dma_start3A_296] : memref<125x40xi32, #tpu.memory_space<vmem>> -> memref<1x40xi32, #tpu.memory_space<vmem>>
      %dma_start3A_298 = tpu.memref_squeeze %dma_start3A_297 : memref<1x40xi32, #tpu.memory_space<vmem>> -> memref<40xi32, #tpu.memory_space<vmem>>
      %dma_start3A_299 = arith.constant 0 : i32
      %dma_start3A_300 = arith.constant 0 : i32
      %dma_start3A_301 = tpu.memref_slice %arg20[%dma_start3A_299, %dma_start3A_300] : memref<10240x128xf32, #tpu.memory_space<vmem_shared>> -> memref<10240x128xf32, #tpu.memory_space<vmem_shared>>
      tpu.enqueue_indirect_dma source(%arg9 : memref<40x128xf32, #tpu.memory_space<vmem>>) target(%dma_start3A_301 : memref<10240x128xf32, #tpu.memory_space<vmem_shared>>) offsets(%dma_start3A_298 : memref<40xi32, #tpu.memory_space<vmem>>) semaphore(%arg17 : memref<!tpu.dma_semaphore, #tpu.memory_space<semaphore_mem>>) {add = true}
      %sub3A = arith.constant 1 : i32
      %sub3A_302 = arith.subi %mul3A_287, %sub3A : i32
      %dma_wait3A_303 = arith.constant 0 : i32
      %dma_wait3A_304 = tpu.memref_slice %arg8[%sub3A_302, %dma_wait3A_303] : memref<125x40xi32, #tpu.memory_space<vmem>> -> memref<1x40xi32, #tpu.memory_space<vmem>>
      %dma_wait3A_305 = tpu.memref_squeeze %dma_wait3A_304 : memref<1x40xi32, #tpu.memory_space<vmem>> -> memref<40xi32, #tpu.memory_space<vmem>>
      %dma_wait3A_306 = arith.constant 0 : i32
      %dma_wait3A_307 = arith.constant 0 : i32
      %dma_wait3A_308 = tpu.memref_slice %arg20[%dma_wait3A_306, %dma_wait3A_307] : memref<10240x128xf32, #tpu.memory_space<vmem_shared>> -> memref<10240x128xf32, #tpu.memory_space<vmem_shared>>
      tpu.wait_indirect_dma semaphore(%arg19 : memref<!tpu.dma_semaphore, #tpu.memory_space<semaphore_mem>>) src(%arg11 : memref<40x128xf32, #tpu.memory_space<vmem>>) dst(%dma_wait3A_308 : memref<10240x128xf32, #tpu.memory_space<vmem_shared>>)
      %add3A_309 = arith.constant 2 : i32
      %add3A_310 = arith.addi %mul3A_287, %add3A_309 : i32
      %add3A_311 = arith.constant 0 : i32
      %add3A_312 = arith.addi %add3A_311, %add3A_310 : i32
      %mul3A_313 = arith.constant 40 : i32
      %mul3A_314 = arith.muli %add3A_312, %mul3A_313 : i32
      %dma_start3A_315 = tpu.memref_slice %arg7[%mul3A_314] : memref<10000xi32, #tpu.memory_space<vmem>> -> memref<40xi32, #tpu.memory_space<vmem>>
      %dma_start3A_316 = arith.constant 0 : i32
      %dma_start3A_317 = arith.constant 0 : i32
      %dma_start3A_318 = tpu.memref_slice %arg4[%dma_start3A_316, %dma_start3A_317] : memref<10000x128xf32, #tpu.memory_space<hbm>> -> memref<10000x128xf32, #tpu.memory_space<hbm>>
      tpu.enqueue_indirect_dma source(%dma_start3A_318 : memref<10000x128xf32, #tpu.memory_space<hbm>>) target(%arg11 : memref<40x128xf32, #tpu.memory_space<vmem>>) offsets(%dma_start3A_315 : memref<40xi32, #tpu.memory_space<vmem>>) semaphore(%arg16 : memref<!tpu.dma_semaphore, #tpu.memory_space<semaphore_mem>>)
      %add3A_319 = arith.constant 1 : i32
      %add3A_320 = arith.addi %mul3A_287, %add3A_319 : i32
      %add3A_321 = arith.constant 0 : i32
      %add3A_322 = arith.addi %add3A_321, %add3A_320 : i32
      %mul3A_323 = arith.constant 40 : i32
      %mul3A_324 = arith.muli %add3A_322, %mul3A_323 : i32
      %dma_wait3A_325 = tpu.memref_slice %arg7[%mul3A_324] : memref<10000xi32, #tpu.memory_space<vmem>> -> memref<40xi32, #tpu.memory_space<vmem>>
      %dma_wait3A_326 = arith.constant 0 : i32
      %dma_wait3A_327 = arith.constant 0 : i32
      %dma_wait3A_328 = tpu.memref_slice %arg4[%dma_wait3A_326, %dma_wait3A_327] : memref<10000x128xf32, #tpu.memory_space<hbm>> -> memref<10000x128xf32, #tpu.memory_space<hbm>>
      tpu.wait_indirect_dma semaphore(%arg15 : memref<!tpu.dma_semaphore, #tpu.memory_space<semaphore_mem>>) src(%dma_wait3A_328 : memref<10000x128xf32, #tpu.memory_space<hbm>>) dst(%arg10 : memref<40x128xf32, #tpu.memory_space<vmem>>)
      %add3A_329 = arith.constant 1 : i32
      %add3A_330 = arith.addi %mul3A_287, %add3A_329 : i32
      %dma_start3A_331 = arith.constant 0 : i32
      %dma_start3A_332 = tpu.memref_slice %arg8[%add3A_330, %dma_start3A_331] : memref<125x40xi32, #tpu.memory_space<vmem>> -> memref<1x40xi32, #tpu.memory_space<vmem>>
      %dma_start3A_333 = tpu.memref_squeeze %dma_start3A_332 : memref<1x40xi32, #tpu.memory_space<vmem>> -> memref<40xi32, #tpu.memory_space<vmem>>
      %dma_start3A_334 = arith.constant 0 : i32
      %dma_start3A_335 = arith.constant 0 : i32
      %dma_start3A_336 = tpu.memref_slice %arg20[%dma_start3A_334, %dma_start3A_335] : memref<10240x128xf32, #tpu.memory_space<vmem_shared>> -> memref<10240x128xf32, #tpu.memory_space<vmem_shared>>
      tpu.enqueue_indirect_dma source(%arg10 : memref<40x128xf32, #tpu.memory_space<vmem>>) target(%dma_start3A_336 : memref<10240x128xf32, #tpu.memory_space<vmem_shared>>) offsets(%dma_start3A_333 : memref<40xi32, #tpu.memory_space<vmem>>) semaphore(%arg18 : memref<!tpu.dma_semaphore, #tpu.memory_space<semaphore_mem>>) {add = true}
      %dma_wait3A_337 = arith.constant 0 : i32
      %dma_wait3A_338 = tpu.memref_slice %arg8[%mul3A_287, %dma_wait3A_337] : memref<125x40xi32, #tpu.memory_space<vmem>> -> memref<1x40xi32, #tpu.memory_space<vmem>>
      %dma_wait3A_339 = tpu.memref_squeeze %dma_wait3A_338 : memref<1x40xi32, #tpu.memory_space<vmem>> -> memref<40xi32, #tpu.memory_space<vmem>>
      %dma_wait3A_340 = arith.constant 0 : i32
      %dma_wait3A_341 = arith.constant 0 : i32
      %dma_wait3A_342 = tpu.memref_slice %arg20[%dma_wait3A_340, %dma_wait3A_341] : memref<10240x128xf32, #tpu.memory_space<vmem_shared>> -> memref<10240x128xf32, #tpu.memory_space<vmem_shared>>
      tpu.wait_indirect_dma semaphore(%arg17 : memref<!tpu.dma_semaphore, #tpu.memory_space<semaphore_mem>>) src(%arg9 : memref<40x128xf32, #tpu.memory_space<vmem>>) dst(%dma_wait3A_342 : memref<10240x128xf32, #tpu.memory_space<vmem_shared>>)
      %add3A_343 = arith.constant 3 : i32
      %add3A_344 = arith.addi %mul3A_287, %add3A_343 : i32
      %add3A_345 = arith.constant 0 : i32
      %add3A_346 = arith.addi %add3A_345, %add3A_344 : i32
      %mul3A_347 = arith.constant 40 : i32
      %mul3A_348 = arith.muli %add3A_346, %mul3A_347 : i32
      %dma_start3A_349 = tpu.memref_slice %arg7[%mul3A_348] : memref<10000xi32, #tpu.memory_space<vmem>> -> memref<40xi32, #tpu.memory_space<vmem>>
      %dma_start3A_350 = arith.constant 0 : i32
      %dma_start3A_351 = arith.constant 0 : i32
      %dma_start3A_352 = tpu.memref_slice %arg4[%dma_start3A_350, %dma_start3A_351] : memref<10000x128xf32, #tpu.memory_space<hbm>> -> memref<10000x128xf32, #tpu.memory_space<hbm>>
      tpu.enqueue_indirect_dma source(%dma_start3A_352 : memref<10000x128xf32, #tpu.memory_space<hbm>>) target(%arg9 : memref<40x128xf32, #tpu.memory_space<vmem>>) offsets(%dma_start3A_349 : memref<40xi32, #tpu.memory_space<vmem>>) semaphore(%arg14 : memref<!tpu.dma_semaphore, #tpu.memory_space<semaphore_mem>>)
      %add3A_353 = arith.constant 2 : i32
      %add3A_354 = arith.addi %mul3A_287, %add3A_353 : i32
      %add3A_355 = arith.constant 0 : i32
      %add3A_356 = arith.addi %add3A_355, %add3A_354 : i32
      %mul3A_357 = arith.constant 40 : i32
      %mul3A_358 = arith.muli %add3A_356, %mul3A_357 : i32
      %dma_wait3A_359 = tpu.memref_slice %arg7[%mul3A_358] : memref<10000xi32, #tpu.memory_space<vmem>> -> memref<40xi32, #tpu.memory_space<vmem>>
      %dma_wait3A_360 = arith.constant 0 : i32
      %dma_wait3A_361 = arith.constant 0 : i32
      %dma_wait3A_362 = tpu.memref_slice %arg4[%dma_wait3A_360, %dma_wait3A_361] : memref<10000x128xf32, #tpu.memory_space<hbm>> -> memref<10000x128xf32, #tpu.memory_space<hbm>>
      tpu.wait_indirect_dma semaphore(%arg16 : memref<!tpu.dma_semaphore, #tpu.memory_space<semaphore_mem>>) src(%dma_wait3A_362 : memref<10000x128xf32, #tpu.memory_space<hbm>>) dst(%arg11 : memref<40x128xf32, #tpu.memory_space<vmem>>)
      %add3A_363 = arith.constant 2 : i32
      %add3A_364 = arith.addi %mul3A_287, %add3A_363 : i32
      %dma_start3A_365 = arith.constant 0 : i32
      %dma_start3A_366 = tpu.memref_slice %arg8[%add3A_364, %dma_start3A_365] : memref<125x40xi32, #tpu.memory_space<vmem>> -> memref<1x40xi32, #tpu.memory_space<vmem>>
      %dma_start3A_367 = tpu.memref_squeeze %dma_start3A_366 : memref<1x40xi32, #tpu.memory_space<vmem>> -> memref<40xi32, #tpu.memory_space<vmem>>
      %dma_start3A_368 = arith.constant 0 : i32
      %dma_start3A_369 = arith.constant 0 : i32
      %dma_start3A_370 = tpu.memref_slice %arg20[%dma_start3A_368, %dma_start3A_369] : memref<10240x128xf32, #tpu.memory_space<vmem_shared>> -> memref<10240x128xf32, #tpu.memory_space<vmem_shared>>
      tpu.enqueue_indirect_dma source(%arg11 : memref<40x128xf32, #tpu.memory_space<vmem>>) target(%dma_start3A_370 : memref<10240x128xf32, #tpu.memory_space<vmem_shared>>) offsets(%dma_start3A_367 : memref<40xi32, #tpu.memory_space<vmem>>) semaphore(%arg19 : memref<!tpu.dma_semaphore, #tpu.memory_space<semaphore_mem>>) {add = true}
      %add3A_371 = arith.constant 1 : i32
      %add3A_372 = arith.addi %mul3A_287, %add3A_371 : i32
      %dma_wait3A_373 = arith.constant 0 : i32
      %dma_wait3A_374 = tpu.memref_slice %arg8[%add3A_372, %dma_wait3A_373] : memref<125x40xi32, #tpu.memory_space<vmem>> -> memref<1x40xi32, #tpu.memory_space<vmem>>
      %dma_wait3A_375 = tpu.memref_squeeze %dma_wait3A_374 : memref<1x40xi32, #tpu.memory_space<vmem>> -> memref<40xi32, #tpu.memory_space<vmem>>
      %dma_wait3A_376 = arith.constant 0 : i32
      %dma_wait3A_377 = arith.constant 0 : i32
      %dma_wait3A_378 = tpu.memref_slice %arg20[%dma_wait3A_376, %dma_wait3A_377] : memref<10240x128xf32, #tpu.memory_space<vmem_shared>> -> memref<10240x128xf32, #tpu.memory_space<vmem_shared>>
      tpu.wait_indirect_dma semaphore(%arg18 : memref<!tpu.dma_semaphore, #tpu.memory_space<semaphore_mem>>) src(%arg10 : memref<40x128xf32, #tpu.memory_space<vmem>>) dst(%dma_wait3A_378 : memref<10240x128xf32, #tpu.memory_space<vmem_shared>>)
      %add3A_379 = arith.constant 4 : i32
      %add3A_380 = arith.addi %mul3A_287, %add3A_379 : i32
      %add3A_381 = arith.constant 0 : i32
      %add3A_382 = arith.addi %add3A_381, %add3A_380 : i32
      %mul3A_383 = arith.constant 40 : i32
      %mul3A_384 = arith.muli %add3A_382, %mul3A_383 : i32
      %dma_start3A_385 = tpu.memref_slice %arg7[%mul3A_384] : memref<10000xi32, #tpu.memory_space<vmem>> -> memref<40xi32, #tpu.memory_space<vmem>>
      %dma_start3A_386 = arith.constant 0 : i32
      %dma_start3A_387 = arith.constant 0 : i32
      %dma_start3A_388 = tpu.memref_slice %arg4[%dma_start3A_386, %dma_start3A_387] : memref<10000x128xf32, #tpu.memory_space<hbm>> -> memref<10000x128xf32, #tpu.memory_space<hbm>>
      tpu.enqueue_indirect_dma source(%dma_start3A_388 : memref<10000x128xf32, #tpu.memory_space<hbm>>) target(%arg10 : memref<40x128xf32, #tpu.memory_space<vmem>>) offsets(%dma_start3A_385 : memref<40xi32, #tpu.memory_space<vmem>>) semaphore(%arg15 : memref<!tpu.dma_semaphore, #tpu.memory_space<semaphore_mem>>)
    }
    %scan3A_108 = arith.constant 40 : i32
    %dma_wait3A_109 = arith.constant 4920 : i32
    %dma_wait3A_110 = tpu.memref_slice %arg7[%dma_wait3A_109] : memref<10000xi32, #tpu.memory_space<vmem>> -> memref<40xi32, #tpu.memory_space<vmem>>
    %dma_wait3A_111 = arith.constant 0 : i32
    %dma_wait3A_112 = arith.constant 0 : i32
    %dma_wait3A_113 = tpu.memref_slice %arg4[%dma_wait3A_111, %dma_wait3A_112] : memref<10000x128xf32, #tpu.memory_space<hbm>> -> memref<10000x128xf32, #tpu.memory_space<hbm>>
    tpu.wait_indirect_dma semaphore(%arg14 : memref<!tpu.dma_semaphore, #tpu.memory_space<semaphore_mem>>) src(%dma_wait3A_113 : memref<10000x128xf32, #tpu.memory_space<hbm>>) dst(%arg9 : memref<40x128xf32, #tpu.memory_space<vmem>>)
    %dma_start3A_114 = arith.constant 123 : i32
    %dma_start3A_115 = arith.constant 0 : i32
    %dma_start3A_116 = tpu.memref_slice %arg8[%dma_start3A_114, %dma_start3A_115] : memref<125x40xi32, #tpu.memory_space<vmem>> -> memref<1x40xi32, #tpu.memory_space<vmem>>
    %dma_start3A_117 = tpu.memref_squeeze %dma_start3A_116 : memref<1x40xi32, #tpu.memory_space<vmem>> -> memref<40xi32, #tpu.memory_space<vmem>>
    %dma_start3A_118 = arith.constant 0 : i32
    %dma_start3A_119 = arith.constant 0 : i32
    %dma_start3A_120 = tpu.memref_slice %arg20[%dma_start3A_118, %dma_start3A_119] : memref<10240x128xf32, #tpu.memory_space<vmem_shared>> -> memref<10240x128xf32, #tpu.memory_space<vmem_shared>>
    tpu.enqueue_indirect_dma source(%arg9 : memref<40x128xf32, #tpu.memory_space<vmem>>) target(%dma_start3A_120 : memref<10240x128xf32, #tpu.memory_space<vmem_shared>>) offsets(%dma_start3A_117 : memref<40xi32, #tpu.memory_space<vmem>>) semaphore(%arg17 : memref<!tpu.dma_semaphore, #tpu.memory_space<semaphore_mem>>) {add = true}
    %dma_wait3A_121 = arith.constant 122 : i32
    %dma_wait3A_122 = arith.constant 0 : i32
    %dma_wait3A_123 = tpu.memref_slice %arg8[%dma_wait3A_121, %dma_wait3A_122] : memref<125x40xi32, #tpu.memory_space<vmem>> -> memref<1x40xi32, #tpu.memory_space<vmem>>
    %dma_wait3A_124 = tpu.memref_squeeze %dma_wait3A_123 : memref<1x40xi32, #tpu.memory_space<vmem>> -> memref<40xi32, #tpu.memory_space<vmem>>
    %dma_wait3A_125 = arith.constant 0 : i32
    %dma_wait3A_126 = arith.constant 0 : i32
    %dma_wait3A_127 = tpu.memref_slice %arg20[%dma_wait3A_125, %dma_wait3A_126] : memref<10240x128xf32, #tpu.memory_space<vmem_shared>> -> memref<10240x128xf32, #tpu.memory_space<vmem_shared>>
    tpu.wait_indirect_dma semaphore(%arg19 : memref<!tpu.dma_semaphore, #tpu.memory_space<semaphore_mem>>) src(%arg11 : memref<40x128xf32, #tpu.memory_space<vmem>>) dst(%dma_wait3A_127 : memref<10240x128xf32, #tpu.memory_space<vmem_shared>>)
    %dma_wait3A_128 = arith.constant 4960 : i32
    %dma_wait3A_129 = tpu.memref_slice %arg7[%dma_wait3A_128] : memref<10000xi32, #tpu.memory_space<vmem>> -> memref<40xi32, #tpu.memory_space<vmem>>
    %dma_wait3A_130 = arith.constant 0 : i32
    %dma_wait3A_131 = arith.constant 0 : i32
    %dma_wait3A_132 = tpu.memref_slice %arg4[%dma_wait3A_130, %dma_wait3A_131] : memref<10000x128xf32, #tpu.memory_space<hbm>> -> memref<10000x128xf32, #tpu.memory_space<hbm>>
    tpu.wait_indirect_dma semaphore(%arg15 : memref<!tpu.dma_semaphore, #tpu.memory_space<semaphore_mem>>) src(%dma_wait3A_132 : memref<10000x128xf32, #tpu.memory_space<hbm>>) dst(%arg10 : memref<40x128xf32, #tpu.memory_space<vmem>>)
    %dma_start3A_133 = arith.constant 124 : i32
    %dma_start3A_134 = arith.constant 0 : i32
    %dma_start3A_135 = tpu.memref_slice %arg8[%dma_start3A_133, %dma_start3A_134] : memref<125x40xi32, #tpu.memory_space<vmem>> -> memref<1x40xi32, #tpu.memory_space<vmem>>
    %dma_start3A_136 = tpu.memref_squeeze %dma_start3A_135 : memref<1x40xi32, #tpu.memory_space<vmem>> -> memref<40xi32, #tpu.memory_space<vmem>>
    %dma_start3A_137 = arith.constant 0 : i32
    %dma_start3A_138 = arith.constant 0 : i32
    %dma_start3A_139 = tpu.memref_slice %arg20[%dma_start3A_137, %dma_start3A_138] : memref<10240x128xf32, #tpu.memory_space<vmem_shared>> -> memref<10240x128xf32, #tpu.memory_space<vmem_shared>>
    tpu.enqueue_indirect_dma source(%arg10 : memref<40x128xf32, #tpu.memory_space<vmem>>) target(%dma_start3A_139 : memref<10240x128xf32, #tpu.memory_space<vmem_shared>>) offsets(%dma_start3A_136 : memref<40xi32, #tpu.memory_space<vmem>>) semaphore(%arg18 : memref<!tpu.dma_semaphore, #tpu.memory_space<semaphore_mem>>) {add = true}
    %dma_wait3A_140 = arith.constant 123 : i32
    %dma_wait3A_141 = arith.constant 0 : i32
    %dma_wait3A_142 = tpu.memref_slice %arg8[%dma_wait3A_140, %dma_wait3A_141] : memref<125x40xi32, #tpu.memory_space<vmem>> -> memref<1x40xi32, #tpu.memory_space<vmem>>
    %dma_wait3A_143 = tpu.memref_squeeze %dma_wait3A_142 : memref<1x40xi32, #tpu.memory_space<vmem>> -> memref<40xi32, #tpu.memory_space<vmem>>
    %dma_wait3A_144 = arith.constant 0 : i32
    %dma_wait3A_145 = arith.constant 0 : i32
    %dma_wait3A_146 = tpu.memref_slice %arg20[%dma_wait3A_144, %dma_wait3A_145] : memref<10240x128xf32, #tpu.memory_space<vmem_shared>> -> memref<10240x128xf32, #tpu.memory_space<vmem_shared>>
    tpu.wait_indirect_dma semaphore(%arg17 : memref<!tpu.dma_semaphore, #tpu.memory_space<semaphore_mem>>) src(%arg9 : memref<40x128xf32, #tpu.memory_space<vmem>>) dst(%dma_wait3A_146 : memref<10240x128xf32, #tpu.memory_space<vmem_shared>>)
    %dma_wait3A_147 = arith.constant 124 : i32
    %dma_wait3A_148 = arith.constant 0 : i32
    %dma_wait3A_149 = tpu.memref_slice %arg8[%dma_wait3A_147, %dma_wait3A_148] : memref<125x40xi32, #tpu.memory_space<vmem>> -> memref<1x40xi32, #tpu.memory_space<vmem>>
    %dma_wait3A_150 = tpu.memref_squeeze %dma_wait3A_149 : memref<1x40xi32, #tpu.memory_space<vmem>> -> memref<40xi32, #tpu.memory_space<vmem>>
    %dma_wait3A_151 = arith.constant 0 : i32
    %dma_wait3A_152 = arith.constant 0 : i32
    %dma_wait3A_153 = tpu.memref_slice %arg20[%dma_wait3A_151, %dma_wait3A_152] : memref<10240x128xf32, #tpu.memory_space<vmem_shared>> -> memref<10240x128xf32, #tpu.memory_space<vmem_shared>>
    tpu.wait_indirect_dma semaphore(%arg18 : memref<!tpu.dma_semaphore, #tpu.memory_space<semaphore_mem>>) src(%arg10 : memref<40x128xf32, #tpu.memory_space<vmem>>) dst(%dma_wait3A_153 : memref<10240x128xf32, #tpu.memory_space<vmem_shared>>)
    %run_scoped3A = arith.constant 1 : i32
    "tpu.region"() ({
      %run_scoped3A_285 = tpu.sem_alloc : memref<!tpu.dma_semaphore, #tpu.memory_space<semaphore_mem>>
      %dma_start3A_286 = arith.constant 0 : i32
      %dma_start3A_287 = arith.constant 0 : i32
      %dma_start3A_288 = tpu.memref_slice %arg2[%add3A, %run_scoped3A, %dma_start3A_286, %dma_start3A_287] : memref<32x2x125x40xi32, #tpu.memory_space<hbm>> -> memref<1x1x125x40xi32, #tpu.memory_space<hbm>>
      %dma_start3A_289 = tpu.memref_squeeze %dma_start3A_288 : memref<1x1x125x40xi32, #tpu.memory_space<hbm>> -> memref<125x40xi32, #tpu.memory_space<hbm>>
      %dma_start3A_290 = arith.constant 0 : i32
      %dma_start3A_291 = arith.constant 0 : i32
      %dma_start3A_292 = tpu.memref_slice %arg2[%add3A, %run_scoped3A, %dma_start3A_290, %dma_start3A_291] : memref<32x2x125x40xi32, #tpu.memory_space<hbm>> -> memref<1x1x125x40xi32, #tpu.memory_space<hbm>>
      %dma_start3A_293 = tpu.memref_squeeze %dma_start3A_292 : memref<1x1x125x40xi32, #tpu.memory_space<hbm>> -> memref<125x40xi32, #tpu.memory_space<hbm>>
      tpu.enqueue_dma source(%dma_start3A_293 : memref<125x40xi32, #tpu.memory_space<hbm>>) target(%arg8 : memref<125x40xi32, #tpu.memory_space<vmem>>) target_semaphore(%run_scoped3A_285 : memref<!tpu.dma_semaphore, #tpu.memory_space<semaphore_mem>>)
      %dma_wait3A_294 = arith.constant 0 : i32
      %dma_wait3A_295 = arith.constant 0 : i32
      %dma_wait3A_296 = tpu.memref_slice %arg2[%add3A, %run_scoped3A, %dma_wait3A_294, %dma_wait3A_295] : memref<32x2x125x40xi32, #tpu.memory_space<hbm>> -> memref<1x1x125x40xi32, #tpu.memory_space<hbm>>
      %dma_wait3A_297 = tpu.memref_squeeze %dma_wait3A_296 : memref<1x1x125x40xi32, #tpu.memory_space<hbm>> -> memref<125x40xi32, #tpu.memory_space<hbm>>
      %dma_wait3A_298 = arith.constant 0 : i32
      %dma_wait3A_299 = arith.constant 0 : i32
      %dma_wait3A_300 = tpu.memref_slice %arg2[%add3A, %run_scoped3A, %dma_wait3A_298, %dma_wait3A_299] : memref<32x2x125x40xi32, #tpu.memory_space<hbm>> -> memref<1x1x125x40xi32, #tpu.memory_space<hbm>>
      %dma_wait3A_301 = tpu.memref_squeeze %dma_wait3A_300 : memref<1x1x125x40xi32, #tpu.memory_space<hbm>> -> memref<125x40xi32, #tpu.memory_space<hbm>>
      tpu.wait_dma2 semaphore(%run_scoped3A_285 : memref<!tpu.dma_semaphore, #tpu.memory_space<semaphore_mem>>) src(%dma_wait3A_301 : memref<125x40xi32, #tpu.memory_space<hbm>>) dst(%arg8 : memref<125x40xi32, #tpu.memory_space<vmem>>)
      tpu.yield
    }) : () -> ()
    %dma_start3A_154 = arith.constant 5000 : i32
    %dma_start3A_155 = tpu.memref_slice %arg7[%dma_start3A_154] : memref<10000xi32, #tpu.memory_space<vmem>> -> memref<40xi32, #tpu.memory_space<vmem>>
    %dma_start3A_156 = arith.constant 0 : i32
    %dma_start3A_157 = arith.constant 0 : i32
    %dma_start3A_158 = tpu.memref_slice %arg4[%dma_start3A_156, %dma_start3A_157] : memref<10000x128xf32, #tpu.memory_space<hbm>> -> memref<10000x128xf32, #tpu.memory_space<hbm>>
    tpu.enqueue_indirect_dma source(%dma_start3A_158 : memref<10000x128xf32, #tpu.memory_space<hbm>>) target(%arg9 : memref<40x128xf32, #tpu.memory_space<vmem>>) offsets(%dma_start3A_155 : memref<40xi32, #tpu.memory_space<vmem>>) semaphore(%arg14 : memref<!tpu.dma_semaphore, #tpu.memory_space<semaphore_mem>>)
    %dma_start3A_159 = arith.constant 5040 : i32
    %dma_start3A_160 = tpu.memref_slice %arg7[%dma_start3A_159] : memref<10000xi32, #tpu.memory_space<vmem>> -> memref<40xi32, #tpu.memory_space<vmem>>
    %dma_start3A_161 = arith.constant 0 : i32
    %dma_start3A_162 = arith.constant 0 : i32
    %dma_start3A_163 = tpu.memref_slice %arg4[%dma_start3A_161, %dma_start3A_162] : memref<10000x128xf32, #tpu.memory_space<hbm>> -> memref<10000x128xf32, #tpu.memory_space<hbm>>
    tpu.enqueue_indirect_dma source(%dma_start3A_163 : memref<10000x128xf32, #tpu.memory_space<hbm>>) target(%arg10 : memref<40x128xf32, #tpu.memory_space<vmem>>) offsets(%dma_start3A_160 : memref<40xi32, #tpu.memory_space<vmem>>) semaphore(%arg15 : memref<!tpu.dma_semaphore, #tpu.memory_space<semaphore_mem>>)
    %dma_wait3A_164 = arith.constant 5000 : i32
    %dma_wait3A_165 = tpu.memref_slice %arg7[%dma_wait3A_164] : memref<10000xi32, #tpu.memory_space<vmem>> -> memref<40xi32, #tpu.memory_space<vmem>>
    %dma_wait3A_166 = arith.constant 0 : i32
    %dma_wait3A_167 = arith.constant 0 : i32
    %dma_wait3A_168 = tpu.memref_slice %arg4[%dma_wait3A_166, %dma_wait3A_167] : memref<10000x128xf32, #tpu.memory_space<hbm>> -> memref<10000x128xf32, #tpu.memory_space<hbm>>
    tpu.wait_indirect_dma semaphore(%arg14 : memref<!tpu.dma_semaphore, #tpu.memory_space<semaphore_mem>>) src(%dma_wait3A_168 : memref<10000x128xf32, #tpu.memory_space<hbm>>) dst(%arg9 : memref<40x128xf32, #tpu.memory_space<vmem>>)
    %dma_start3A_169 = arith.constant 0 : i32
    %dma_start3A_170 = arith.constant 0 : i32
    %dma_start3A_171 = tpu.memref_slice %arg8[%dma_start3A_169, %dma_start3A_170] : memref<125x40xi32, #tpu.memory_space<vmem>> -> memref<1x40xi32, #tpu.memory_space<vmem>>
    %dma_start3A_172 = tpu.memref_squeeze %dma_start3A_171 : memref<1x40xi32, #tpu.memory_space<vmem>> -> memref<40xi32, #tpu.memory_space<vmem>>
    %dma_start3A_173 = arith.constant 0 : i32
    %dma_start3A_174 = arith.constant 0 : i32
    %dma_start3A_175 = tpu.memref_slice %arg20[%dma_start3A_173, %dma_start3A_174] : memref<10240x128xf32, #tpu.memory_space<vmem_shared>> -> memref<10240x128xf32, #tpu.memory_space<vmem_shared>>
    tpu.enqueue_indirect_dma source(%arg9 : memref<40x128xf32, #tpu.memory_space<vmem>>) target(%dma_start3A_175 : memref<10240x128xf32, #tpu.memory_space<vmem_shared>>) offsets(%dma_start3A_172 : memref<40xi32, #tpu.memory_space<vmem>>) semaphore(%arg17 : memref<!tpu.dma_semaphore, #tpu.memory_space<semaphore_mem>>) {add = true}
    %dma_start3A_176 = arith.constant 5080 : i32
    %dma_start3A_177 = tpu.memref_slice %arg7[%dma_start3A_176] : memref<10000xi32, #tpu.memory_space<vmem>> -> memref<40xi32, #tpu.memory_space<vmem>>
    %dma_start3A_178 = arith.constant 0 : i32
    %dma_start3A_179 = arith.constant 0 : i32
    %dma_start3A_180 = tpu.memref_slice %arg4[%dma_start3A_178, %dma_start3A_179] : memref<10000x128xf32, #tpu.memory_space<hbm>> -> memref<10000x128xf32, #tpu.memory_space<hbm>>
    tpu.enqueue_indirect_dma source(%dma_start3A_180 : memref<10000x128xf32, #tpu.memory_space<hbm>>) target(%arg11 : memref<40x128xf32, #tpu.memory_space<vmem>>) offsets(%dma_start3A_177 : memref<40xi32, #tpu.memory_space<vmem>>) semaphore(%arg16 : memref<!tpu.dma_semaphore, #tpu.memory_space<semaphore_mem>>)
    %dma_wait3A_181 = arith.constant 5040 : i32
    %dma_wait3A_182 = tpu.memref_slice %arg7[%dma_wait3A_181] : memref<10000xi32, #tpu.memory_space<vmem>> -> memref<40xi32, #tpu.memory_space<vmem>>
    %dma_wait3A_183 = arith.constant 0 : i32
    %dma_wait3A_184 = arith.constant 0 : i32
    %dma_wait3A_185 = tpu.memref_slice %arg4[%dma_wait3A_183, %dma_wait3A_184] : memref<10000x128xf32, #tpu.memory_space<hbm>> -> memref<10000x128xf32, #tpu.memory_space<hbm>>
    tpu.wait_indirect_dma semaphore(%arg15 : memref<!tpu.dma_semaphore, #tpu.memory_space<semaphore_mem>>) src(%dma_wait3A_185 : memref<10000x128xf32, #tpu.memory_space<hbm>>) dst(%arg10 : memref<40x128xf32, #tpu.memory_space<vmem>>)
    %dma_start3A_186 = arith.constant 1 : i32
    %dma_start3A_187 = arith.constant 0 : i32
    %dma_start3A_188 = tpu.memref_slice %arg8[%dma_start3A_186, %dma_start3A_187] : memref<125x40xi32, #tpu.memory_space<vmem>> -> memref<1x40xi32, #tpu.memory_space<vmem>>
    %dma_start3A_189 = tpu.memref_squeeze %dma_start3A_188 : memref<1x40xi32, #tpu.memory_space<vmem>> -> memref<40xi32, #tpu.memory_space<vmem>>
    %dma_start3A_190 = arith.constant 0 : i32
    %dma_start3A_191 = arith.constant 0 : i32
    %dma_start3A_192 = tpu.memref_slice %arg20[%dma_start3A_190, %dma_start3A_191] : memref<10240x128xf32, #tpu.memory_space<vmem_shared>> -> memref<10240x128xf32, #tpu.memory_space<vmem_shared>>
    tpu.enqueue_indirect_dma source(%arg10 : memref<40x128xf32, #tpu.memory_space<vmem>>) target(%dma_start3A_192 : memref<10240x128xf32, #tpu.memory_space<vmem_shared>>) offsets(%dma_start3A_189 : memref<40xi32, #tpu.memory_space<vmem>>) semaphore(%arg18 : memref<!tpu.dma_semaphore, #tpu.memory_space<semaphore_mem>>) {add = true}
    %dma_wait3A_193 = arith.constant 0 : i32
    %dma_wait3A_194 = arith.constant 0 : i32
    %dma_wait3A_195 = tpu.memref_slice %arg8[%dma_wait3A_193, %dma_wait3A_194] : memref<125x40xi32, #tpu.memory_space<vmem>> -> memref<1x40xi32, #tpu.memory_space<vmem>>
    %dma_wait3A_196 = tpu.memref_squeeze %dma_wait3A_195 : memref<1x40xi32, #tpu.memory_space<vmem>> -> memref<40xi32, #tpu.memory_space<vmem>>
    %dma_wait3A_197 = arith.constant 0 : i32
    %dma_wait3A_198 = arith.constant 0 : i32
    %dma_wait3A_199 = tpu.memref_slice %arg20[%dma_wait3A_197, %dma_wait3A_198] : memref<10240x128xf32, #tpu.memory_space<vmem_shared>> -> memref<10240x128xf32, #tpu.memory_space<vmem_shared>>
    tpu.wait_indirect_dma semaphore(%arg17 : memref<!tpu.dma_semaphore, #tpu.memory_space<semaphore_mem>>) src(%arg9 : memref<40x128xf32, #tpu.memory_space<vmem>>) dst(%dma_wait3A_199 : memref<10240x128xf32, #tpu.memory_space<vmem_shared>>)
    %dma_start3A_200 = arith.constant 5120 : i32
    %dma_start3A_201 = tpu.memref_slice %arg7[%dma_start3A_200] : memref<10000xi32, #tpu.memory_space<vmem>> -> memref<40xi32, #tpu.memory_space<vmem>>
    %dma_start3A_202 = arith.constant 0 : i32
    %dma_start3A_203 = arith.constant 0 : i32
    %dma_start3A_204 = tpu.memref_slice %arg4[%dma_start3A_202, %dma_start3A_203] : memref<10000x128xf32, #tpu.memory_space<hbm>> -> memref<10000x128xf32, #tpu.memory_space<hbm>>
    tpu.enqueue_indirect_dma source(%dma_start3A_204 : memref<10000x128xf32, #tpu.memory_space<hbm>>) target(%arg9 : memref<40x128xf32, #tpu.memory_space<vmem>>) offsets(%dma_start3A_201 : memref<40xi32, #tpu.memory_space<vmem>>) semaphore(%arg14 : memref<!tpu.dma_semaphore, #tpu.memory_space<semaphore_mem>>)
    %dma_wait3A_205 = arith.constant 5080 : i32
    %dma_wait3A_206 = tpu.memref_slice %arg7[%dma_wait3A_205] : memref<10000xi32, #tpu.memory_space<vmem>> -> memref<40xi32, #tpu.memory_space<vmem>>
    %dma_wait3A_207 = arith.constant 0 : i32
    %dma_wait3A_208 = arith.constant 0 : i32
    %dma_wait3A_209 = tpu.memref_slice %arg4[%dma_wait3A_207, %dma_wait3A_208] : memref<10000x128xf32, #tpu.memory_space<hbm>> -> memref<10000x128xf32, #tpu.memory_space<hbm>>
    tpu.wait_indirect_dma semaphore(%arg16 : memref<!tpu.dma_semaphore, #tpu.memory_space<semaphore_mem>>) src(%dma_wait3A_209 : memref<10000x128xf32, #tpu.memory_space<hbm>>) dst(%arg11 : memref<40x128xf32, #tpu.memory_space<vmem>>)
    %dma_start3A_210 = arith.constant 2 : i32
    %dma_start3A_211 = arith.constant 0 : i32
    %dma_start3A_212 = tpu.memref_slice %arg8[%dma_start3A_210, %dma_start3A_211] : memref<125x40xi32, #tpu.memory_space<vmem>> -> memref<1x40xi32, #tpu.memory_space<vmem>>
    %dma_start3A_213 = tpu.memref_squeeze %dma_start3A_212 : memref<1x40xi32, #tpu.memory_space<vmem>> -> memref<40xi32, #tpu.memory_space<vmem>>
    %dma_start3A_214 = arith.constant 0 : i32
    %dma_start3A_215 = arith.constant 0 : i32
    %dma_start3A_216 = tpu.memref_slice %arg20[%dma_start3A_214, %dma_start3A_215] : memref<10240x128xf32, #tpu.memory_space<vmem_shared>> -> memref<10240x128xf32, #tpu.memory_space<vmem_shared>>
    tpu.enqueue_indirect_dma source(%arg11 : memref<40x128xf32, #tpu.memory_space<vmem>>) target(%dma_start3A_216 : memref<10240x128xf32, #tpu.memory_space<vmem_shared>>) offsets(%dma_start3A_213 : memref<40xi32, #tpu.memory_space<vmem>>) semaphore(%arg19 : memref<!tpu.dma_semaphore, #tpu.memory_space<semaphore_mem>>) {add = true}
    %dma_wait3A_217 = arith.constant 1 : i32
    %dma_wait3A_218 = arith.constant 0 : i32
    %dma_wait3A_219 = tpu.memref_slice %arg8[%dma_wait3A_217, %dma_wait3A_218] : memref<125x40xi32, #tpu.memory_space<vmem>> -> memref<1x40xi32, #tpu.memory_space<vmem>>
    %dma_wait3A_220 = tpu.memref_squeeze %dma_wait3A_219 : memref<1x40xi32, #tpu.memory_space<vmem>> -> memref<40xi32, #tpu.memory_space<vmem>>
    %dma_wait3A_221 = arith.constant 0 : i32
    %dma_wait3A_222 = arith.constant 0 : i32
    %dma_wait3A_223 = tpu.memref_slice %arg20[%dma_wait3A_221, %dma_wait3A_222] : memref<10240x128xf32, #tpu.memory_space<vmem_shared>> -> memref<10240x128xf32, #tpu.memory_space<vmem_shared>>
    tpu.wait_indirect_dma semaphore(%arg18 : memref<!tpu.dma_semaphore, #tpu.memory_space<semaphore_mem>>) src(%arg10 : memref<40x128xf32, #tpu.memory_space<vmem>>) dst(%dma_wait3A_223 : memref<10240x128xf32, #tpu.memory_space<vmem_shared>>)
    %dma_start3A_224 = arith.constant 5160 : i32
    %dma_start3A_225 = tpu.memref_slice %arg7[%dma_start3A_224] : memref<10000xi32, #tpu.memory_space<vmem>> -> memref<40xi32, #tpu.memory_space<vmem>>
    %dma_start3A_226 = arith.constant 0 : i32
    %dma_start3A_227 = arith.constant 0 : i32
    %dma_start3A_228 = tpu.memref_slice %arg4[%dma_start3A_226, %dma_start3A_227] : memref<10000x128xf32, #tpu.memory_space<hbm>> -> memref<10000x128xf32, #tpu.memory_space<hbm>>
    tpu.enqueue_indirect_dma source(%dma_start3A_228 : memref<10000x128xf32, #tpu.memory_space<hbm>>) target(%arg10 : memref<40x128xf32, #tpu.memory_space<vmem>>) offsets(%dma_start3A_225 : memref<40xi32, #tpu.memory_space<vmem>>) semaphore(%arg15 : memref<!tpu.dma_semaphore, #tpu.memory_space<semaphore_mem>>)
    %scan3A_229 = arith.constant 0 : i32
    %scan3A_230 = arith.constant 1 : i32
    %scan3A_231 = arith.constant 40 : i32
    %scan3A_232 = arith.addi %scan3A_230, %scan3A_231 : i32
    %scan3A_233 = arith.constant 1 : i32
    scf.for %scan3A_285 = %scan3A_230 to %scan3A_232 step %scan3A_233  : i32 {
      %mul3A_286 = arith.constant 3 : i32
      %mul3A_287 = arith.muli %mul3A_286, %scan3A_285 : i32
      %add3A_288 = arith.constant 125 : i32
      %add3A_289 = arith.addi %add3A_288, %mul3A_287 : i32
      %mul3A_290 = arith.constant 40 : i32
      %mul3A_291 = arith.muli %add3A_289, %mul3A_290 : i32
      %dma_wait3A_292 = tpu.memref_slice %arg7[%mul3A_291] : memref<10000xi32, #tpu.memory_space<vmem>> -> memref<40xi32, #tpu.memory_space<vmem>>
      %dma_wait3A_293 = arith.constant 0 : i32
      %dma_wait3A_294 = arith.constant 0 : i32
      %dma_wait3A_295 = tpu.memref_slice %arg4[%dma_wait3A_293, %dma_wait3A_294] : memref<10000x128xf32, #tpu.memory_space<hbm>> -> memref<10000x128xf32, #tpu.memory_space<hbm>>
      tpu.wait_indirect_dma semaphore(%arg14 : memref<!tpu.dma_semaphore, #tpu.memory_space<semaphore_mem>>) src(%dma_wait3A_295 : memref<10000x128xf32, #tpu.memory_space<hbm>>) dst(%arg9 : memref<40x128xf32, #tpu.memory_space<vmem>>)
      %dma_start3A_296 = arith.constant 0 : i32
      %dma_start3A_297 = tpu.memref_slice %arg8[%mul3A_287, %dma_start3A_296] : memref<125x40xi32, #tpu.memory_space<vmem>> -> memref<1x40xi32, #tpu.memory_space<vmem>>
      %dma_start3A_298 = tpu.memref_squeeze %dma_start3A_297 : memref<1x40xi32, #tpu.memory_space<vmem>> -> memref<40xi32, #tpu.memory_space<vmem>>
      %dma_start3A_299 = arith.constant 0 : i32
      %dma_start3A_300 = arith.constant 0 : i32
      %dma_start3A_301 = tpu.memref_slice %arg20[%dma_start3A_299, %dma_start3A_300] : memref<10240x128xf32, #tpu.memory_space<vmem_shared>> -> memref<10240x128xf32, #tpu.memory_space<vmem_shared>>
      tpu.enqueue_indirect_dma source(%arg9 : memref<40x128xf32, #tpu.memory_space<vmem>>) target(%dma_start3A_301 : memref<10240x128xf32, #tpu.memory_space<vmem_shared>>) offsets(%dma_start3A_298 : memref<40xi32, #tpu.memory_space<vmem>>) semaphore(%arg17 : memref<!tpu.dma_semaphore, #tpu.memory_space<semaphore_mem>>) {add = true}
      %sub3A = arith.constant 1 : i32
      %sub3A_302 = arith.subi %mul3A_287, %sub3A : i32
      %dma_wait3A_303 = arith.constant 0 : i32
      %dma_wait3A_304 = tpu.memref_slice %arg8[%sub3A_302, %dma_wait3A_303] : memref<125x40xi32, #tpu.memory_space<vmem>> -> memref<1x40xi32, #tpu.memory_space<vmem>>
      %dma_wait3A_305 = tpu.memref_squeeze %dma_wait3A_304 : memref<1x40xi32, #tpu.memory_space<vmem>> -> memref<40xi32, #tpu.memory_space<vmem>>
      %dma_wait3A_306 = arith.constant 0 : i32
      %dma_wait3A_307 = arith.constant 0 : i32
      %dma_wait3A_308 = tpu.memref_slice %arg20[%dma_wait3A_306, %dma_wait3A_307] : memref<10240x128xf32, #tpu.memory_space<vmem_shared>> -> memref<10240x128xf32, #tpu.memory_space<vmem_shared>>
      tpu.wait_indirect_dma semaphore(%arg19 : memref<!tpu.dma_semaphore, #tpu.memory_space<semaphore_mem>>) src(%arg11 : memref<40x128xf32, #tpu.memory_space<vmem>>) dst(%dma_wait3A_308 : memref<10240x128xf32, #tpu.memory_space<vmem_shared>>)
      %add3A_309 = arith.constant 2 : i32
      %add3A_310 = arith.addi %mul3A_287, %add3A_309 : i32
      %add3A_311 = arith.constant 125 : i32
      %add3A_312 = arith.addi %add3A_311, %add3A_310 : i32
      %mul3A_313 = arith.constant 40 : i32
      %mul3A_314 = arith.muli %add3A_312, %mul3A_313 : i32
      %dma_start3A_315 = tpu.memref_slice %arg7[%mul3A_314] : memref<10000xi32, #tpu.memory_space<vmem>> -> memref<40xi32, #tpu.memory_space<vmem>>
      %dma_start3A_316 = arith.constant 0 : i32
      %dma_start3A_317 = arith.constant 0 : i32
      %dma_start3A_318 = tpu.memref_slice %arg4[%dma_start3A_316, %dma_start3A_317] : memref<10000x128xf32, #tpu.memory_space<hbm>> -> memref<10000x128xf32, #tpu.memory_space<hbm>>
      tpu.enqueue_indirect_dma source(%dma_start3A_318 : memref<10000x128xf32, #tpu.memory_space<hbm>>) target(%arg11 : memref<40x128xf32, #tpu.memory_space<vmem>>) offsets(%dma_start3A_315 : memref<40xi32, #tpu.memory_space<vmem>>) semaphore(%arg16 : memref<!tpu.dma_semaphore, #tpu.memory_space<semaphore_mem>>)
      %add3A_319 = arith.constant 1 : i32
      %add3A_320 = arith.addi %mul3A_287, %add3A_319 : i32
      %add3A_321 = arith.constant 125 : i32
      %add3A_322 = arith.addi %add3A_321, %add3A_320 : i32
      %mul3A_323 = arith.constant 40 : i32
      %mul3A_324 = arith.muli %add3A_322, %mul3A_323 : i32
      %dma_wait3A_325 = tpu.memref_slice %arg7[%mul3A_324] : memref<10000xi32, #tpu.memory_space<vmem>> -> memref<40xi32, #tpu.memory_space<vmem>>
      %dma_wait3A_326 = arith.constant 0 : i32
      %dma_wait3A_327 = arith.constant 0 : i32
      %dma_wait3A_328 = tpu.memref_slice %arg4[%dma_wait3A_326, %dma_wait3A_327] : memref<10000x128xf32, #tpu.memory_space<hbm>> -> memref<10000x128xf32, #tpu.memory_space<hbm>>
      tpu.wait_indirect_dma semaphore(%arg15 : memref<!tpu.dma_semaphore, #tpu.memory_space<semaphore_mem>>) src(%dma_wait3A_328 : memref<10000x128xf32, #tpu.memory_space<hbm>>) dst(%arg10 : memref<40x128xf32, #tpu.memory_space<vmem>>)
      %add3A_329 = arith.constant 1 : i32
      %add3A_330 = arith.addi %mul3A_287, %add3A_329 : i32
      %dma_start3A_331 = arith.constant 0 : i32
      %dma_start3A_332 = tpu.memref_slice %arg8[%add3A_330, %dma_start3A_331] : memref<125x40xi32, #tpu.memory_space<vmem>> -> memref<1x40xi32, #tpu.memory_space<vmem>>
      %dma_start3A_333 = tpu.memref_squeeze %dma_start3A_332 : memref<1x40xi32, #tpu.memory_space<vmem>> -> memref<40xi32, #tpu.memory_space<vmem>>
      %dma_start3A_334 = arith.constant 0 : i32
      %dma_start3A_335 = arith.constant 0 : i32
      %dma_start3A_336 = tpu.memref_slice %arg20[%dma_start3A_334, %dma_start3A_335] : memref<10240x128xf32, #tpu.memory_space<vmem_shared>> -> memref<10240x128xf32, #tpu.memory_space<vmem_shared>>
      tpu.enqueue_indirect_dma source(%arg10 : memref<40x128xf32, #tpu.memory_space<vmem>>) target(%dma_start3A_336 : memref<10240x128xf32, #tpu.memory_space<vmem_shared>>) offsets(%dma_start3A_333 : memref<40xi32, #tpu.memory_space<vmem>>) semaphore(%arg18 : memref<!tpu.dma_semaphore, #tpu.memory_space<semaphore_mem>>) {add = true}
      %dma_wait3A_337 = arith.constant 0 : i32
      %dma_wait3A_338 = tpu.memref_slice %arg8[%mul3A_287, %dma_wait3A_337] : memref<125x40xi32, #tpu.memory_space<vmem>> -> memref<1x40xi32, #tpu.memory_space<vmem>>
      %dma_wait3A_339 = tpu.memref_squeeze %dma_wait3A_338 : memref<1x40xi32, #tpu.memory_space<vmem>> -> memref<40xi32, #tpu.memory_space<vmem>>
      %dma_wait3A_340 = arith.constant 0 : i32
      %dma_wait3A_341 = arith.constant 0 : i32
      %dma_wait3A_342 = tpu.memref_slice %arg20[%dma_wait3A_340, %dma_wait3A_341] : memref<10240x128xf32, #tpu.memory_space<vmem_shared>> -> memref<10240x128xf32, #tpu.memory_space<vmem_shared>>
      tpu.wait_indirect_dma semaphore(%arg17 : memref<!tpu.dma_semaphore, #tpu.memory_space<semaphore_mem>>) src(%arg9 : memref<40x128xf32, #tpu.memory_space<vmem>>) dst(%dma_wait3A_342 : memref<10240x128xf32, #tpu.memory_space<vmem_shared>>)
      %add3A_343 = arith.constant 3 : i32
      %add3A_344 = arith.addi %mul3A_287, %add3A_343 : i32
      %add3A_345 = arith.constant 125 : i32
      %add3A_346 = arith.addi %add3A_345, %add3A_344 : i32
      %mul3A_347 = arith.constant 40 : i32
      %mul3A_348 = arith.muli %add3A_346, %mul3A_347 : i32
      %dma_start3A_349 = tpu.memref_slice %arg7[%mul3A_348] : memref<10000xi32, #tpu.memory_space<vmem>> -> memref<40xi32, #tpu.memory_space<vmem>>
      %dma_start3A_350 = arith.constant 0 : i32
      %dma_start3A_351 = arith.constant 0 : i32
      %dma_start3A_352 = tpu.memref_slice %arg4[%dma_start3A_350, %dma_start3A_351] : memref<10000x128xf32, #tpu.memory_space<hbm>> -> memref<10000x128xf32, #tpu.memory_space<hbm>>
      tpu.enqueue_indirect_dma source(%dma_start3A_352 : memref<10000x128xf32, #tpu.memory_space<hbm>>) target(%arg9 : memref<40x128xf32, #tpu.memory_space<vmem>>) offsets(%dma_start3A_349 : memref<40xi32, #tpu.memory_space<vmem>>) semaphore(%arg14 : memref<!tpu.dma_semaphore, #tpu.memory_space<semaphore_mem>>)
      %add3A_353 = arith.constant 2 : i32
      %add3A_354 = arith.addi %mul3A_287, %add3A_353 : i32
      %add3A_355 = arith.constant 125 : i32
      %add3A_356 = arith.addi %add3A_355, %add3A_354 : i32
      %mul3A_357 = arith.constant 40 : i32
      %mul3A_358 = arith.muli %add3A_356, %mul3A_357 : i32
      %dma_wait3A_359 = tpu.memref_slice %arg7[%mul3A_358] : memref<10000xi32, #tpu.memory_space<vmem>> -> memref<40xi32, #tpu.memory_space<vmem>>
      %dma_wait3A_360 = arith.constant 0 : i32
      %dma_wait3A_361 = arith.constant 0 : i32
      %dma_wait3A_362 = tpu.memref_slice %arg4[%dma_wait3A_360, %dma_wait3A_361] : memref<10000x128xf32, #tpu.memory_space<hbm>> -> memref<10000x128xf32, #tpu.memory_space<hbm>>
      tpu.wait_indirect_dma semaphore(%arg16 : memref<!tpu.dma_semaphore, #tpu.memory_space<semaphore_mem>>) src(%dma_wait3A_362 : memref<10000x128xf32, #tpu.memory_space<hbm>>) dst(%arg11 : memref<40x128xf32, #tpu.memory_space<vmem>>)
      %add3A_363 = arith.constant 2 : i32
      %add3A_364 = arith.addi %mul3A_287, %add3A_363 : i32
      %dma_start3A_365 = arith.constant 0 : i32
      %dma_start3A_366 = tpu.memref_slice %arg8[%add3A_364, %dma_start3A_365] : memref<125x40xi32, #tpu.memory_space<vmem>> -> memref<1x40xi32, #tpu.memory_space<vmem>>
      %dma_start3A_367 = tpu.memref_squeeze %dma_start3A_366 : memref<1x40xi32, #tpu.memory_space<vmem>> -> memref<40xi32, #tpu.memory_space<vmem>>
      %dma_start3A_368 = arith.constant 0 : i32
      %dma_start3A_369 = arith.constant 0 : i32
      %dma_start3A_370 = tpu.memref_slice %arg20[%dma_start3A_368, %dma_start3A_369] : memref<10240x128xf32, #tpu.memory_space<vmem_shared>> -> memref<10240x128xf32, #tpu.memory_space<vmem_shared>>
      tpu.enqueue_indirect_dma source(%arg11 : memref<40x128xf32, #tpu.memory_space<vmem>>) target(%dma_start3A_370 : memref<10240x128xf32, #tpu.memory_space<vmem_shared>>) offsets(%dma_start3A_367 : memref<40xi32, #tpu.memory_space<vmem>>) semaphore(%arg19 : memref<!tpu.dma_semaphore, #tpu.memory_space<semaphore_mem>>) {add = true}
      %add3A_371 = arith.constant 1 : i32
      %add3A_372 = arith.addi %mul3A_287, %add3A_371 : i32
      %dma_wait3A_373 = arith.constant 0 : i32
      %dma_wait3A_374 = tpu.memref_slice %arg8[%add3A_372, %dma_wait3A_373] : memref<125x40xi32, #tpu.memory_space<vmem>> -> memref<1x40xi32, #tpu.memory_space<vmem>>
      %dma_wait3A_375 = tpu.memref_squeeze %dma_wait3A_374 : memref<1x40xi32, #tpu.memory_space<vmem>> -> memref<40xi32, #tpu.memory_space<vmem>>
      %dma_wait3A_376 = arith.constant 0 : i32
      %dma_wait3A_377 = arith.constant 0 : i32
      %dma_wait3A_378 = tpu.memref_slice %arg20[%dma_wait3A_376, %dma_wait3A_377] : memref<10240x128xf32, #tpu.memory_space<vmem_shared>> -> memref<10240x128xf32, #tpu.memory_space<vmem_shared>>
      tpu.wait_indirect_dma semaphore(%arg18 : memref<!tpu.dma_semaphore, #tpu.memory_space<semaphore_mem>>) src(%arg10 : memref<40x128xf32, #tpu.memory_space<vmem>>) dst(%dma_wait3A_378 : memref<10240x128xf32, #tpu.memory_space<vmem_shared>>)
      %add3A_379 = arith.constant 4 : i32
      %add3A_380 = arith.addi %mul3A_287, %add3A_379 : i32
      %add3A_381 = arith.constant 125 : i32
      %add3A_382 = arith.addi %add3A_381, %add3A_380 : i32
      %mul3A_383 = arith.constant 40 : i32
      %mul3A_384 = arith.muli %add3A_382, %mul3A_383 : i32
      %dma_start3A_385 = tpu.memref_slice %arg7[%mul3A_384] : memref<10000xi32, #tpu.memory_space<vmem>> -> memref<40xi32, #tpu.memory_space<vmem>>
      %dma_start3A_386 = arith.constant 0 : i32
      %dma_start3A_387 = arith.constant 0 : i32
      %dma_start3A_388 = tpu.memref_slice %arg4[%dma_start3A_386, %dma_start3A_387] : memref<10000x128xf32, #tpu.memory_space<hbm>> -> memref<10000x128xf32, #tpu.memory_space<hbm>>
      tpu.enqueue_indirect_dma source(%dma_start3A_388 : memref<10000x128xf32, #tpu.memory_space<hbm>>) target(%arg10 : memref<40x128xf32, #tpu.memory_space<vmem>>) offsets(%dma_start3A_385 : memref<40xi32, #tpu.memory_space<vmem>>) semaphore(%arg15 : memref<!tpu.dma_semaphore, #tpu.memory_space<semaphore_mem>>)
    }
    %scan3A_234 = arith.constant 40 : i32
    %dma_wait3A_235 = arith.constant 9920 : i32
    %dma_wait3A_236 = tpu.memref_slice %arg7[%dma_wait3A_235] : memref<10000xi32, #tpu.memory_space<vmem>> -> memref<40xi32, #tpu.memory_space<vmem>>
    %dma_wait3A_237 = arith.constant 0 : i32
    %dma_wait3A_238 = arith.constant 0 : i32
    %dma_wait3A_239 = tpu.memref_slice %arg4[%dma_wait3A_237, %dma_wait3A_238] : memref<10000x128xf32, #tpu.memory_space<hbm>> -> memref<10000x128xf32, #tpu.memory_space<hbm>>
    tpu.wait_indirect_dma semaphore(%arg14 : memref<!tpu.dma_semaphore, #tpu.memory_space<semaphore_mem>>) src(%dma_wait3A_239 : memref<10000x128xf32, #tpu.memory_space<hbm>>) dst(%arg9 : memref<40x128xf32, #tpu.memory_space<vmem>>)
    %dma_start3A_240 = arith.constant 123 : i32
    %dma_start3A_241 = arith.constant 0 : i32
    %dma_start3A_242 = tpu.memref_slice %arg8[%dma_start3A_240, %dma_start3A_241] : memref<125x40xi32, #tpu.memory_space<vmem>> -> memref<1x40xi32, #tpu.memory_space<vmem>>
    %dma_start3A_243 = tpu.memref_squeeze %dma_start3A_242 : memref<1x40xi32, #tpu.memory_space<vmem>> -> memref<40xi32, #tpu.memory_space<vmem>>
    %dma_start3A_244 = arith.constant 0 : i32
    %dma_start3A_245 = arith.constant 0 : i32
    %dma_start3A_246 = tpu.memref_slice %arg20[%dma_start3A_244, %dma_start3A_245] : memref<10240x128xf32, #tpu.memory_space<vmem_shared>> -> memref<10240x128xf32, #tpu.memory_space<vmem_shared>>
    tpu.enqueue_indirect_dma source(%arg9 : memref<40x128xf32, #tpu.memory_space<vmem>>) target(%dma_start3A_246 : memref<10240x128xf32, #tpu.memory_space<vmem_shared>>) offsets(%dma_start3A_243 : memref<40xi32, #tpu.memory_space<vmem>>) semaphore(%arg17 : memref<!tpu.dma_semaphore, #tpu.memory_space<semaphore_mem>>) {add = true}
    %dma_wait3A_247 = arith.constant 122 : i32
    %dma_wait3A_248 = arith.constant 0 : i32
    %dma_wait3A_249 = tpu.memref_slice %arg8[%dma_wait3A_247, %dma_wait3A_248] : memref<125x40xi32, #tpu.memory_space<vmem>> -> memref<1x40xi32, #tpu.memory_space<vmem>>
    %dma_wait3A_250 = tpu.memref_squeeze %dma_wait3A_249 : memref<1x40xi32, #tpu.memory_space<vmem>> -> memref<40xi32, #tpu.memory_space<vmem>>
    %dma_wait3A_251 = arith.constant 0 : i32
    %dma_wait3A_252 = arith.constant 0 : i32
    %dma_wait3A_253 = tpu.memref_slice %arg20[%dma_wait3A_251, %dma_wait3A_252] : memref<10240x128xf32, #tpu.memory_space<vmem_shared>> -> memref<10240x128xf32, #tpu.memory_space<vmem_shared>>
    tpu.wait_indirect_dma semaphore(%arg19 : memref<!tpu.dma_semaphore, #tpu.memory_space<semaphore_mem>>) src(%arg11 : memref<40x128xf32, #tpu.memory_space<vmem>>) dst(%dma_wait3A_253 : memref<10240x128xf32, #tpu.memory_space<vmem_shared>>)
    %dma_wait3A_254 = arith.constant 9960 : i32
    %dma_wait3A_255 = tpu.memref_slice %arg7[%dma_wait3A_254] : memref<10000xi32, #tpu.memory_space<vmem>> -> memref<40xi32, #tpu.memory_space<vmem>>
    %dma_wait3A_256 = arith.constant 0 : i32
    %dma_wait3A_257 = arith.constant 0 : i32
    %dma_wait3A_258 = tpu.memref_slice %arg4[%dma_wait3A_256, %dma_wait3A_257] : memref<10000x128xf32, #tpu.memory_space<hbm>> -> memref<10000x128xf32, #tpu.memory_space<hbm>>
    tpu.wait_indirect_dma semaphore(%arg15 : memref<!tpu.dma_semaphore, #tpu.memory_space<semaphore_mem>>) src(%dma_wait3A_258 : memref<10000x128xf32, #tpu.memory_space<hbm>>) dst(%arg10 : memref<40x128xf32, #tpu.memory_space<vmem>>)
    %dma_start3A_259 = arith.constant 124 : i32
    %dma_start3A_260 = arith.constant 0 : i32
    %dma_start3A_261 = tpu.memref_slice %arg8[%dma_start3A_259, %dma_start3A_260] : memref<125x40xi32, #tpu.memory_space<vmem>> -> memref<1x40xi32, #tpu.memory_space<vmem>>
    %dma_start3A_262 = tpu.memref_squeeze %dma_start3A_261 : memref<1x40xi32, #tpu.memory_space<vmem>> -> memref<40xi32, #tpu.memory_space<vmem>>
    %dma_start3A_263 = arith.constant 0 : i32
    %dma_start3A_264 = arith.constant 0 : i32
    %dma_start3A_265 = tpu.memref_slice %arg20[%dma_start3A_263, %dma_start3A_264] : memref<10240x128xf32, #tpu.memory_space<vmem_shared>> -> memref<10240x128xf32, #tpu.memory_space<vmem_shared>>
    tpu.enqueue_indirect_dma source(%arg10 : memref<40x128xf32, #tpu.memory_space<vmem>>) target(%dma_start3A_265 : memref<10240x128xf32, #tpu.memory_space<vmem_shared>>) offsets(%dma_start3A_262 : memref<40xi32, #tpu.memory_space<vmem>>) semaphore(%arg18 : memref<!tpu.dma_semaphore, #tpu.memory_space<semaphore_mem>>) {add = true}
    %dma_wait3A_266 = arith.constant 123 : i32
    %dma_wait3A_267 = arith.constant 0 : i32
    %dma_wait3A_268 = tpu.memref_slice %arg8[%dma_wait3A_266, %dma_wait3A_267] : memref<125x40xi32, #tpu.memory_space<vmem>> -> memref<1x40xi32, #tpu.memory_space<vmem>>
    %dma_wait3A_269 = tpu.memref_squeeze %dma_wait3A_268 : memref<1x40xi32, #tpu.memory_space<vmem>> -> memref<40xi32, #tpu.memory_space<vmem>>
    %dma_wait3A_270 = arith.constant 0 : i32
    %dma_wait3A_271 = arith.constant 0 : i32
    %dma_wait3A_272 = tpu.memref_slice %arg20[%dma_wait3A_270, %dma_wait3A_271] : memref<10240x128xf32, #tpu.memory_space<vmem_shared>> -> memref<10240x128xf32, #tpu.memory_space<vmem_shared>>
    tpu.wait_indirect_dma semaphore(%arg17 : memref<!tpu.dma_semaphore, #tpu.memory_space<semaphore_mem>>) src(%arg9 : memref<40x128xf32, #tpu.memory_space<vmem>>) dst(%dma_wait3A_272 : memref<10240x128xf32, #tpu.memory_space<vmem_shared>>)
    %dma_wait3A_273 = arith.constant 124 : i32
    %dma_wait3A_274 = arith.constant 0 : i32
    %dma_wait3A_275 = tpu.memref_slice %arg8[%dma_wait3A_273, %dma_wait3A_274] : memref<125x40xi32, #tpu.memory_space<vmem>> -> memref<1x40xi32, #tpu.memory_space<vmem>>
    %dma_wait3A_276 = tpu.memref_squeeze %dma_wait3A_275 : memref<1x40xi32, #tpu.memory_space<vmem>> -> memref<40xi32, #tpu.memory_space<vmem>>
    %dma_wait3A_277 = arith.constant 0 : i32
    %dma_wait3A_278 = arith.constant 0 : i32
    %dma_wait3A_279 = tpu.memref_slice %arg20[%dma_wait3A_277, %dma_wait3A_278] : memref<10240x128xf32, #tpu.memory_space<vmem_shared>> -> memref<10240x128xf32, #tpu.memory_space<vmem_shared>>
    tpu.wait_indirect_dma semaphore(%arg18 : memref<!tpu.dma_semaphore, #tpu.memory_space<semaphore_mem>>) src(%arg10 : memref<40x128xf32, #tpu.memory_space<vmem>>) dst(%dma_wait3A_279 : memref<10240x128xf32, #tpu.memory_space<vmem_shared>>)
    %barrier3A_280 = arith.constant 0 : index
    tpu.barrier barrier_id(%barrier3A_280)
    %mul3A_281 = arith.constant 640 : i32
    %mul3A_282 = arith.muli %arg1, %mul3A_281 : i32
    %mul3A_283 = arith.constant 640 : i32
    %mul3A_284 = arith.muli %arg1, %mul3A_283 : i32
    "tpu.region"() ({
      %run_scoped3A_285 = tpu.sem_alloc : memref<!tpu.dma_semaphore, #tpu.memory_space<semaphore_mem>>
      %dma_start3A_286 = arith.constant 0 : i32
      %dma_start3A_287 = tpu.memref_slice %arg6[%arg0, %mul3A_284, %dma_start3A_286] : memref<2x10240x128xf32, #tpu.memory_space<hbm>> -> memref<1x640x128xf32, #tpu.memory_space<hbm>>
      %dma_start3A_288 = tpu.memref_squeeze %dma_start3A_287 : memref<1x640x128xf32, #tpu.memory_space<hbm>> -> memref<640x128xf32, #tpu.memory_space<hbm>>
      %dma_start3A_289 = arith.constant 0 : i32
      %dma_start3A_290 = tpu.memref_slice %arg20[%mul3A_282, %dma_start3A_289] : memref<10240x128xf32, #tpu.memory_space<vmem_shared>> -> memref<640x128xf32, #tpu.memory_space<vmem_shared>>
      tpu.enqueue_dma source(%dma_start3A_290 : memref<640x128xf32, #tpu.memory_space<vmem_shared>>) target(%dma_start3A_288 : memref<640x128xf32, #tpu.memory_space<hbm>>) target_semaphore(%run_scoped3A_285 : memref<!tpu.dma_semaphore, #tpu.memory_space<semaphore_mem>>)
      %dma_wait3A_291 = arith.constant 0 : i32
      %dma_wait3A_292 = tpu.memref_slice %arg6[%arg0, %mul3A_284, %dma_wait3A_291] : memref<2x10240x128xf32, #tpu.memory_space<hbm>> -> memref<1x640x128xf32, #tpu.memory_space<hbm>>
      %dma_wait3A_293 = tpu.memref_squeeze %dma_wait3A_292 : memref<1x640x128xf32, #tpu.memory_space<hbm>> -> memref<640x128xf32, #tpu.memory_space<hbm>>
      %dma_wait3A_294 = arith.constant 0 : i32
      %dma_wait3A_295 = tpu.memref_slice %arg20[%mul3A_282, %dma_wait3A_294] : memref<10240x128xf32, #tpu.memory_space<vmem_shared>> -> memref<640x128xf32, #tpu.memory_space<vmem_shared>>
      tpu.wait_dma2 semaphore(%run_scoped3A_285 : memref<!tpu.dma_semaphore, #tpu.memory_space<semaphore_mem>>) src(%dma_wait3A_295 : memref<640x128xf32, #tpu.memory_space<vmem_shared>>) dst(%dma_wait3A_293 : memref<640x128xf32, #tpu.memory_space<hbm>>)
      tpu.yield
    }) : () -> ()
    return
  }
}

#map = affine_map<(d0, d1) -> (0, 0, 0, 0)>
#map1 = affine_map<(d0, d1) -> (0, 0)>
#map2 = affine_map<(d0, d1) -> (0, 0, 0)>
module attributes {stable_mosaic.version = 14 : i64} {
  func.func @_deg_body(%arg0: i32, %arg1: i32, %arg2: memref<32x2x125x40xi32, #tpu.memory_space<hbm>>, %arg3: memref<40x128xf32, #tpu.memory_space<hbm>>, %arg4: memref<10240x128xf32, #tpu.memory_space<hbm>>, %arg5: memref<2x10240x128xf32, #tpu.memory_space<hbm>>, %arg6: memref<125x40xi32, #tpu.memory_space<vmem>>, %arg7: memref<40x128xf32, #tpu.memory_space<vmem>>, %arg8: memref<!tpu.dma_semaphore, #tpu.memory_space<semaphore_mem>>, %arg9: memref<!tpu.dma_semaphore, #tpu.memory_space<semaphore_mem>>, %arg10: memref<10240x128xf32, #tpu.memory_space<vmem_shared>>) attributes {dimension_semantics = [#tpu.dimension_semantics<core_parallel>, #tpu.dimension_semantics<subcore_parallel>], iteration_bounds = array<i64: 2, 16>, scalar_prefetch = 0 : i64, scratch_operands = 5 : i64, tpu.core_type = #tpu.core_type<sc_vector_subcore>, window_params = [{transform_indices = #map}, {transform_indices = #map1}, {transform_indices = #map1}, {transform_indices = #map2}]} {
    %mul3A = arith.constant 2 : i32
    %mul3A_0 = arith.muli %arg1, %mul3A : i32
    %add3A = arith.addi %mul3A_0, %arg0 : i32
    %mul3A_1 = arith.constant 640 : i32
    %mul3A_2 = arith.muli %arg1, %mul3A_1 : i32
    %mul3A_3 = arith.constant 640 : i32
    %mul3A_4 = arith.muli %arg1, %mul3A_3 : i32
    "tpu.region"() ({
      %run_scoped3A_76 = tpu.sem_alloc : memref<!tpu.dma_semaphore, #tpu.memory_space<semaphore_mem>>
      %dma_start3A_77 = arith.constant 0 : i32
      %dma_start3A_78 = tpu.memref_slice %arg10[%mul3A_4, %dma_start3A_77] : memref<10240x128xf32, #tpu.memory_space<vmem_shared>> -> memref<640x128xf32, #tpu.memory_space<vmem_shared>>
      %dma_start3A_79 = arith.constant 0 : i32
      %dma_start3A_80 = tpu.memref_slice %arg4[%mul3A_2, %dma_start3A_79] : memref<10240x128xf32, #tpu.memory_space<hbm>> -> memref<640x128xf32, #tpu.memory_space<hbm>>
      tpu.enqueue_dma source(%dma_start3A_80 : memref<640x128xf32, #tpu.memory_space<hbm>>) target(%dma_start3A_78 : memref<640x128xf32, #tpu.memory_space<vmem_shared>>) target_semaphore(%run_scoped3A_76 : memref<!tpu.dma_semaphore, #tpu.memory_space<semaphore_mem>>)
      %dma_wait3A_81 = arith.constant 0 : i32
      %dma_wait3A_82 = tpu.memref_slice %arg10[%mul3A_4, %dma_wait3A_81] : memref<10240x128xf32, #tpu.memory_space<vmem_shared>> -> memref<640x128xf32, #tpu.memory_space<vmem_shared>>
      %dma_wait3A_83 = arith.constant 0 : i32
      %dma_wait3A_84 = tpu.memref_slice %arg4[%mul3A_2, %dma_wait3A_83] : memref<10240x128xf32, #tpu.memory_space<hbm>> -> memref<640x128xf32, #tpu.memory_space<hbm>>
      tpu.wait_dma2 semaphore(%run_scoped3A_76 : memref<!tpu.dma_semaphore, #tpu.memory_space<semaphore_mem>>) src(%dma_wait3A_84 : memref<640x128xf32, #tpu.memory_space<hbm>>) dst(%dma_wait3A_82 : memref<640x128xf32, #tpu.memory_space<vmem_shared>>)
      tpu.yield
    }) : () -> ()
    "tpu.region"() ({
      %run_scoped3A_76 = tpu.sem_alloc : memref<!tpu.dma_semaphore, #tpu.memory_space<semaphore_mem>>
      tpu.enqueue_dma source(%arg3 : memref<40x128xf32, #tpu.memory_space<hbm>>) target(%arg7 : memref<40x128xf32, #tpu.memory_space<vmem>>) target_semaphore(%run_scoped3A_76 : memref<!tpu.dma_semaphore, #tpu.memory_space<semaphore_mem>>)
      tpu.wait_dma2 semaphore(%run_scoped3A_76 : memref<!tpu.dma_semaphore, #tpu.memory_space<semaphore_mem>>) src(%arg3 : memref<40x128xf32, #tpu.memory_space<hbm>>) dst(%arg7 : memref<40x128xf32, #tpu.memory_space<vmem>>)
      tpu.yield
    }) : () -> ()
    %run_scoped3A = arith.constant 0 : i32
    "tpu.region"() ({
      %run_scoped3A_76 = tpu.sem_alloc : memref<!tpu.dma_semaphore, #tpu.memory_space<semaphore_mem>>
      %dma_start3A_77 = arith.constant 0 : i32
      %dma_start3A_78 = arith.constant 0 : i32
      %dma_start3A_79 = tpu.memref_slice %arg2[%add3A, %run_scoped3A, %dma_start3A_77, %dma_start3A_78] : memref<32x2x125x40xi32, #tpu.memory_space<hbm>> -> memref<1x1x125x40xi32, #tpu.memory_space<hbm>>
      %dma_start3A_80 = tpu.memref_squeeze %dma_start3A_79 : memref<1x1x125x40xi32, #tpu.memory_space<hbm>> -> memref<125x40xi32, #tpu.memory_space<hbm>>
      %dma_start3A_81 = arith.constant 0 : i32
      %dma_start3A_82 = arith.constant 0 : i32
      %dma_start3A_83 = tpu.memref_slice %arg2[%add3A, %run_scoped3A, %dma_start3A_81, %dma_start3A_82] : memref<32x2x125x40xi32, #tpu.memory_space<hbm>> -> memref<1x1x125x40xi32, #tpu.memory_space<hbm>>
      %dma_start3A_84 = tpu.memref_squeeze %dma_start3A_83 : memref<1x1x125x40xi32, #tpu.memory_space<hbm>> -> memref<125x40xi32, #tpu.memory_space<hbm>>
      tpu.enqueue_dma source(%dma_start3A_84 : memref<125x40xi32, #tpu.memory_space<hbm>>) target(%arg6 : memref<125x40xi32, #tpu.memory_space<vmem>>) target_semaphore(%run_scoped3A_76 : memref<!tpu.dma_semaphore, #tpu.memory_space<semaphore_mem>>)
      %dma_wait3A_85 = arith.constant 0 : i32
      %dma_wait3A_86 = arith.constant 0 : i32
      %dma_wait3A_87 = tpu.memref_slice %arg2[%add3A, %run_scoped3A, %dma_wait3A_85, %dma_wait3A_86] : memref<32x2x125x40xi32, #tpu.memory_space<hbm>> -> memref<1x1x125x40xi32, #tpu.memory_space<hbm>>
      %dma_wait3A_88 = tpu.memref_squeeze %dma_wait3A_87 : memref<1x1x125x40xi32, #tpu.memory_space<hbm>> -> memref<125x40xi32, #tpu.memory_space<hbm>>
      %dma_wait3A_89 = arith.constant 0 : i32
      %dma_wait3A_90 = arith.constant 0 : i32
      %dma_wait3A_91 = tpu.memref_slice %arg2[%add3A, %run_scoped3A, %dma_wait3A_89, %dma_wait3A_90] : memref<32x2x125x40xi32, #tpu.memory_space<hbm>> -> memref<1x1x125x40xi32, #tpu.memory_space<hbm>>
      %dma_wait3A_92 = tpu.memref_squeeze %dma_wait3A_91 : memref<1x1x125x40xi32, #tpu.memory_space<hbm>> -> memref<125x40xi32, #tpu.memory_space<hbm>>
      tpu.wait_dma2 semaphore(%run_scoped3A_76 : memref<!tpu.dma_semaphore, #tpu.memory_space<semaphore_mem>>) src(%dma_wait3A_92 : memref<125x40xi32, #tpu.memory_space<hbm>>) dst(%arg6 : memref<125x40xi32, #tpu.memory_space<vmem>>)
      tpu.yield
    }) : () -> ()
    %barrier3A = arith.constant 0 : index
    tpu.barrier barrier_id(%barrier3A)
    %dma_start3A = arith.constant 0 : i32
    %dma_start3A_5 = arith.constant 0 : i32
    %dma_start3A_6 = tpu.memref_slice %arg6[%dma_start3A, %dma_start3A_5] : memref<125x40xi32, #tpu.memory_space<vmem>> -> memref<1x40xi32, #tpu.memory_space<vmem>>
    %dma_start3A_7 = tpu.memref_squeeze %dma_start3A_6 : memref<1x40xi32, #tpu.memory_space<vmem>> -> memref<40xi32, #tpu.memory_space<vmem>>
    %dma_start3A_8 = arith.constant 0 : i32
    %dma_start3A_9 = arith.constant 0 : i32
    %dma_start3A_10 = tpu.memref_slice %arg10[%dma_start3A_8, %dma_start3A_9] : memref<10240x128xf32, #tpu.memory_space<vmem_shared>> -> memref<10240x128xf32, #tpu.memory_space<vmem_shared>>
    tpu.enqueue_indirect_dma source(%arg7 : memref<40x128xf32, #tpu.memory_space<vmem>>) target(%dma_start3A_10 : memref<10240x128xf32, #tpu.memory_space<vmem_shared>>) offsets(%dma_start3A_7 : memref<40xi32, #tpu.memory_space<vmem>>) semaphore(%arg9 : memref<!tpu.dma_semaphore, #tpu.memory_space<semaphore_mem>>) {add = true}
    %dma_start3A_11 = arith.constant 1 : i32
    %dma_start3A_12 = arith.constant 0 : i32
    %dma_start3A_13 = tpu.memref_slice %arg6[%dma_start3A_11, %dma_start3A_12] : memref<125x40xi32, #tpu.memory_space<vmem>> -> memref<1x40xi32, #tpu.memory_space<vmem>>
    %dma_start3A_14 = tpu.memref_squeeze %dma_start3A_13 : memref<1x40xi32, #tpu.memory_space<vmem>> -> memref<40xi32, #tpu.memory_space<vmem>>
    %dma_start3A_15 = arith.constant 0 : i32
    %dma_start3A_16 = arith.constant 0 : i32
    %dma_start3A_17 = tpu.memref_slice %arg10[%dma_start3A_15, %dma_start3A_16] : memref<10240x128xf32, #tpu.memory_space<vmem_shared>> -> memref<10240x128xf32, #tpu.memory_space<vmem_shared>>
    tpu.enqueue_indirect_dma source(%arg7 : memref<40x128xf32, #tpu.memory_space<vmem>>) target(%dma_start3A_17 : memref<10240x128xf32, #tpu.memory_space<vmem_shared>>) offsets(%dma_start3A_14 : memref<40xi32, #tpu.memory_space<vmem>>) semaphore(%arg9 : memref<!tpu.dma_semaphore, #tpu.memory_space<semaphore_mem>>) {add = true}
    %scan3A = arith.constant 0 : i32
    %scan3A_18 = arith.constant 2 : i32
    %scan3A_19 = arith.constant 123 : i32
    %scan3A_20 = arith.addi %scan3A_18, %scan3A_19 : i32
    %scan3A_21 = arith.constant 1 : i32
    scf.for %scan3A_76 = %scan3A_18 to %scan3A_20 step %scan3A_21  : i32 {
      %dma_wait3A_77 = arith.constant 0 : i32
      %dma_wait3A_78 = tpu.memref_slice %arg6[%scan3A_76, %dma_wait3A_77] : memref<125x40xi32, #tpu.memory_space<vmem>> -> memref<1x40xi32, #tpu.memory_space<vmem>>
      %dma_wait3A_79 = tpu.memref_squeeze %dma_wait3A_78 : memref<1x40xi32, #tpu.memory_space<vmem>> -> memref<40xi32, #tpu.memory_space<vmem>>
      %dma_wait3A_80 = arith.constant 0 : i32
      %dma_wait3A_81 = arith.constant 0 : i32
      %dma_wait3A_82 = tpu.memref_slice %arg10[%dma_wait3A_80, %dma_wait3A_81] : memref<10240x128xf32, #tpu.memory_space<vmem_shared>> -> memref<10240x128xf32, #tpu.memory_space<vmem_shared>>
      tpu.wait_indirect_dma semaphore(%arg9 : memref<!tpu.dma_semaphore, #tpu.memory_space<semaphore_mem>>) src(%arg7 : memref<40x128xf32, #tpu.memory_space<vmem>>) dst(%dma_wait3A_82 : memref<10240x128xf32, #tpu.memory_space<vmem_shared>>)
      %dma_start3A_83 = arith.constant 0 : i32
      %dma_start3A_84 = tpu.memref_slice %arg6[%scan3A_76, %dma_start3A_83] : memref<125x40xi32, #tpu.memory_space<vmem>> -> memref<1x40xi32, #tpu.memory_space<vmem>>
      %dma_start3A_85 = tpu.memref_squeeze %dma_start3A_84 : memref<1x40xi32, #tpu.memory_space<vmem>> -> memref<40xi32, #tpu.memory_space<vmem>>
      %dma_start3A_86 = arith.constant 0 : i32
      %dma_start3A_87 = arith.constant 0 : i32
      %dma_start3A_88 = tpu.memref_slice %arg10[%dma_start3A_86, %dma_start3A_87] : memref<10240x128xf32, #tpu.memory_space<vmem_shared>> -> memref<10240x128xf32, #tpu.memory_space<vmem_shared>>
      tpu.enqueue_indirect_dma source(%arg7 : memref<40x128xf32, #tpu.memory_space<vmem>>) target(%dma_start3A_88 : memref<10240x128xf32, #tpu.memory_space<vmem_shared>>) offsets(%dma_start3A_85 : memref<40xi32, #tpu.memory_space<vmem>>) semaphore(%arg9 : memref<!tpu.dma_semaphore, #tpu.memory_space<semaphore_mem>>) {add = true}
    }
    %scan3A_22 = arith.constant 123 : i32
    %dma_wait3A = arith.constant 0 : i32
    %dma_wait3A_23 = arith.constant 0 : i32
    %dma_wait3A_24 = tpu.memref_slice %arg6[%dma_wait3A, %dma_wait3A_23] : memref<125x40xi32, #tpu.memory_space<vmem>> -> memref<1x40xi32, #tpu.memory_space<vmem>>
    %dma_wait3A_25 = tpu.memref_squeeze %dma_wait3A_24 : memref<1x40xi32, #tpu.memory_space<vmem>> -> memref<40xi32, #tpu.memory_space<vmem>>
    %dma_wait3A_26 = arith.constant 0 : i32
    %dma_wait3A_27 = arith.constant 0 : i32
    %dma_wait3A_28 = tpu.memref_slice %arg10[%dma_wait3A_26, %dma_wait3A_27] : memref<10240x128xf32, #tpu.memory_space<vmem_shared>> -> memref<10240x128xf32, #tpu.memory_space<vmem_shared>>
    tpu.wait_indirect_dma semaphore(%arg9 : memref<!tpu.dma_semaphore, #tpu.memory_space<semaphore_mem>>) src(%arg7 : memref<40x128xf32, #tpu.memory_space<vmem>>) dst(%dma_wait3A_28 : memref<10240x128xf32, #tpu.memory_space<vmem_shared>>)
    %dma_wait3A_29 = arith.constant 0 : i32
    %dma_wait3A_30 = arith.constant 0 : i32
    %dma_wait3A_31 = tpu.memref_slice %arg6[%dma_wait3A_29, %dma_wait3A_30] : memref<125x40xi32, #tpu.memory_space<vmem>> -> memref<1x40xi32, #tpu.memory_space<vmem>>
    %dma_wait3A_32 = tpu.memref_squeeze %dma_wait3A_31 : memref<1x40xi32, #tpu.memory_space<vmem>> -> memref<40xi32, #tpu.memory_space<vmem>>
    %dma_wait3A_33 = arith.constant 0 : i32
    %dma_wait3A_34 = arith.constant 0 : i32
    %dma_wait3A_35 = tpu.memref_slice %arg10[%dma_wait3A_33, %dma_wait3A_34] : memref<10240x128xf32, #tpu.memory_space<vmem_shared>> -> memref<10240x128xf32, #tpu.memory_space<vmem_shared>>
    tpu.wait_indirect_dma semaphore(%arg9 : memref<!tpu.dma_semaphore, #tpu.memory_space<semaphore_mem>>) src(%arg7 : memref<40x128xf32, #tpu.memory_space<vmem>>) dst(%dma_wait3A_35 : memref<10240x128xf32, #tpu.memory_space<vmem_shared>>)
    %run_scoped3A_36 = arith.constant 1 : i32
    "tpu.region"() ({
      %run_scoped3A_76 = tpu.sem_alloc : memref<!tpu.dma_semaphore, #tpu.memory_space<semaphore_mem>>
      %dma_start3A_77 = arith.constant 0 : i32
      %dma_start3A_78 = arith.constant 0 : i32
      %dma_start3A_79 = tpu.memref_slice %arg2[%add3A, %run_scoped3A_36, %dma_start3A_77, %dma_start3A_78] : memref<32x2x125x40xi32, #tpu.memory_space<hbm>> -> memref<1x1x125x40xi32, #tpu.memory_space<hbm>>
      %dma_start3A_80 = tpu.memref_squeeze %dma_start3A_79 : memref<1x1x125x40xi32, #tpu.memory_space<hbm>> -> memref<125x40xi32, #tpu.memory_space<hbm>>
      %dma_start3A_81 = arith.constant 0 : i32
      %dma_start3A_82 = arith.constant 0 : i32
      %dma_start3A_83 = tpu.memref_slice %arg2[%add3A, %run_scoped3A_36, %dma_start3A_81, %dma_start3A_82] : memref<32x2x125x40xi32, #tpu.memory_space<hbm>> -> memref<1x1x125x40xi32, #tpu.memory_space<hbm>>
      %dma_start3A_84 = tpu.memref_squeeze %dma_start3A_83 : memref<1x1x125x40xi32, #tpu.memory_space<hbm>> -> memref<125x40xi32, #tpu.memory_space<hbm>>
      tpu.enqueue_dma source(%dma_start3A_84 : memref<125x40xi32, #tpu.memory_space<hbm>>) target(%arg6 : memref<125x40xi32, #tpu.memory_space<vmem>>) target_semaphore(%run_scoped3A_76 : memref<!tpu.dma_semaphore, #tpu.memory_space<semaphore_mem>>)
      %dma_wait3A_85 = arith.constant 0 : i32
      %dma_wait3A_86 = arith.constant 0 : i32
      %dma_wait3A_87 = tpu.memref_slice %arg2[%add3A, %run_scoped3A_36, %dma_wait3A_85, %dma_wait3A_86] : memref<32x2x125x40xi32, #tpu.memory_space<hbm>> -> memref<1x1x125x40xi32, #tpu.memory_space<hbm>>
      %dma_wait3A_88 = tpu.memref_squeeze %dma_wait3A_87 : memref<1x1x125x40xi32, #tpu.memory_space<hbm>> -> memref<125x40xi32, #tpu.memory_space<hbm>>
      %dma_wait3A_89 = arith.constant 0 : i32
      %dma_wait3A_90 = arith.constant 0 : i32
      %dma_wait3A_91 = tpu.memref_slice %arg2[%add3A, %run_scoped3A_36, %dma_wait3A_89, %dma_wait3A_90] : memref<32x2x125x40xi32, #tpu.memory_space<hbm>> -> memref<1x1x125x40xi32, #tpu.memory_space<hbm>>
      %dma_wait3A_92 = tpu.memref_squeeze %dma_wait3A_91 : memref<1x1x125x40xi32, #tpu.memory_space<hbm>> -> memref<125x40xi32, #tpu.memory_space<hbm>>
      tpu.wait_dma2 semaphore(%run_scoped3A_76 : memref<!tpu.dma_semaphore, #tpu.memory_space<semaphore_mem>>) src(%dma_wait3A_92 : memref<125x40xi32, #tpu.memory_space<hbm>>) dst(%arg6 : memref<125x40xi32, #tpu.memory_space<vmem>>)
      tpu.yield
    }) : () -> ()
    %dma_start3A_37 = arith.constant 0 : i32
    %dma_start3A_38 = arith.constant 0 : i32
    %dma_start3A_39 = tpu.memref_slice %arg6[%dma_start3A_37, %dma_start3A_38] : memref<125x40xi32, #tpu.memory_space<vmem>> -> memref<1x40xi32, #tpu.memory_space<vmem>>
    %dma_start3A_40 = tpu.memref_squeeze %dma_start3A_39 : memref<1x40xi32, #tpu.memory_space<vmem>> -> memref<40xi32, #tpu.memory_space<vmem>>
    %dma_start3A_41 = arith.constant 0 : i32
    %dma_start3A_42 = arith.constant 0 : i32
    %dma_start3A_43 = tpu.memref_slice %arg10[%dma_start3A_41, %dma_start3A_42] : memref<10240x128xf32, #tpu.memory_space<vmem_shared>> -> memref<10240x128xf32, #tpu.memory_space<vmem_shared>>
    tpu.enqueue_indirect_dma source(%arg7 : memref<40x128xf32, #tpu.memory_space<vmem>>) target(%dma_start3A_43 : memref<10240x128xf32, #tpu.memory_space<vmem_shared>>) offsets(%dma_start3A_40 : memref<40xi32, #tpu.memory_space<vmem>>) semaphore(%arg9 : memref<!tpu.dma_semaphore, #tpu.memory_space<semaphore_mem>>) {add = true}
    %dma_start3A_44 = arith.constant 1 : i32
    %dma_start3A_45 = arith.constant 0 : i32
    %dma_start3A_46 = tpu.memref_slice %arg6[%dma_start3A_44, %dma_start3A_45] : memref<125x40xi32, #tpu.memory_space<vmem>> -> memref<1x40xi32, #tpu.memory_space<vmem>>
    %dma_start3A_47 = tpu.memref_squeeze %dma_start3A_46 : memref<1x40xi32, #tpu.memory_space<vmem>> -> memref<40xi32, #tpu.memory_space<vmem>>
    %dma_start3A_48 = arith.constant 0 : i32
    %dma_start3A_49 = arith.constant 0 : i32
    %dma_start3A_50 = tpu.memref_slice %arg10[%dma_start3A_48, %dma_start3A_49] : memref<10240x128xf32, #tpu.memory_space<vmem_shared>> -> memref<10240x128xf32, #tpu.memory_space<vmem_shared>>
    tpu.enqueue_indirect_dma source(%arg7 : memref<40x128xf32, #tpu.memory_space<vmem>>) target(%dma_start3A_50 : memref<10240x128xf32, #tpu.memory_space<vmem_shared>>) offsets(%dma_start3A_47 : memref<40xi32, #tpu.memory_space<vmem>>) semaphore(%arg9 : memref<!tpu.dma_semaphore, #tpu.memory_space<semaphore_mem>>) {add = true}
    %scan3A_51 = arith.constant 0 : i32
    %scan3A_52 = arith.constant 2 : i32
    %scan3A_53 = arith.constant 123 : i32
    %scan3A_54 = arith.addi %scan3A_52, %scan3A_53 : i32
    %scan3A_55 = arith.constant 1 : i32
    scf.for %scan3A_76 = %scan3A_52 to %scan3A_54 step %scan3A_55  : i32 {
      %dma_wait3A_77 = arith.constant 0 : i32
      %dma_wait3A_78 = tpu.memref_slice %arg6[%scan3A_76, %dma_wait3A_77] : memref<125x40xi32, #tpu.memory_space<vmem>> -> memref<1x40xi32, #tpu.memory_space<vmem>>
      %dma_wait3A_79 = tpu.memref_squeeze %dma_wait3A_78 : memref<1x40xi32, #tpu.memory_space<vmem>> -> memref<40xi32, #tpu.memory_space<vmem>>
      %dma_wait3A_80 = arith.constant 0 : i32
      %dma_wait3A_81 = arith.constant 0 : i32
      %dma_wait3A_82 = tpu.memref_slice %arg10[%dma_wait3A_80, %dma_wait3A_81] : memref<10240x128xf32, #tpu.memory_space<vmem_shared>> -> memref<10240x128xf32, #tpu.memory_space<vmem_shared>>
      tpu.wait_indirect_dma semaphore(%arg9 : memref<!tpu.dma_semaphore, #tpu.memory_space<semaphore_mem>>) src(%arg7 : memref<40x128xf32, #tpu.memory_space<vmem>>) dst(%dma_wait3A_82 : memref<10240x128xf32, #tpu.memory_space<vmem_shared>>)
      %dma_start3A_83 = arith.constant 0 : i32
      %dma_start3A_84 = tpu.memref_slice %arg6[%scan3A_76, %dma_start3A_83] : memref<125x40xi32, #tpu.memory_space<vmem>> -> memref<1x40xi32, #tpu.memory_space<vmem>>
      %dma_start3A_85 = tpu.memref_squeeze %dma_start3A_84 : memref<1x40xi32, #tpu.memory_space<vmem>> -> memref<40xi32, #tpu.memory_space<vmem>>
      %dma_start3A_86 = arith.constant 0 : i32
      %dma_start3A_87 = arith.constant 0 : i32
      %dma_start3A_88 = tpu.memref_slice %arg10[%dma_start3A_86, %dma_start3A_87] : memref<10240x128xf32, #tpu.memory_space<vmem_shared>> -> memref<10240x128xf32, #tpu.memory_space<vmem_shared>>
      tpu.enqueue_indirect_dma source(%arg7 : memref<40x128xf32, #tpu.memory_space<vmem>>) target(%dma_start3A_88 : memref<10240x128xf32, #tpu.memory_space<vmem_shared>>) offsets(%dma_start3A_85 : memref<40xi32, #tpu.memory_space<vmem>>) semaphore(%arg9 : memref<!tpu.dma_semaphore, #tpu.memory_space<semaphore_mem>>) {add = true}
    }
    %scan3A_56 = arith.constant 123 : i32
    %dma_wait3A_57 = arith.constant 0 : i32
    %dma_wait3A_58 = arith.constant 0 : i32
    %dma_wait3A_59 = tpu.memref_slice %arg6[%dma_wait3A_57, %dma_wait3A_58] : memref<125x40xi32, #tpu.memory_space<vmem>> -> memref<1x40xi32, #tpu.memory_space<vmem>>
    %dma_wait3A_60 = tpu.memref_squeeze %dma_wait3A_59 : memref<1x40xi32, #tpu.memory_space<vmem>> -> memref<40xi32, #tpu.memory_space<vmem>>
    %dma_wait3A_61 = arith.constant 0 : i32
    %dma_wait3A_62 = arith.constant 0 : i32
    %dma_wait3A_63 = tpu.memref_slice %arg10[%dma_wait3A_61, %dma_wait3A_62] : memref<10240x128xf32, #tpu.memory_space<vmem_shared>> -> memref<10240x128xf32, #tpu.memory_space<vmem_shared>>
    tpu.wait_indirect_dma semaphore(%arg9 : memref<!tpu.dma_semaphore, #tpu.memory_space<semaphore_mem>>) src(%arg7 : memref<40x128xf32, #tpu.memory_space<vmem>>) dst(%dma_wait3A_63 : memref<10240x128xf32, #tpu.memory_space<vmem_shared>>)
    %dma_wait3A_64 = arith.constant 0 : i32
    %dma_wait3A_65 = arith.constant 0 : i32
    %dma_wait3A_66 = tpu.memref_slice %arg6[%dma_wait3A_64, %dma_wait3A_65] : memref<125x40xi32, #tpu.memory_space<vmem>> -> memref<1x40xi32, #tpu.memory_space<vmem>>
    %dma_wait3A_67 = tpu.memref_squeeze %dma_wait3A_66 : memref<1x40xi32, #tpu.memory_space<vmem>> -> memref<40xi32, #tpu.memory_space<vmem>>
    %dma_wait3A_68 = arith.constant 0 : i32
    %dma_wait3A_69 = arith.constant 0 : i32
    %dma_wait3A_70 = tpu.memref_slice %arg10[%dma_wait3A_68, %dma_wait3A_69] : memref<10240x128xf32, #tpu.memory_space<vmem_shared>> -> memref<10240x128xf32, #tpu.memory_space<vmem_shared>>
    tpu.wait_indirect_dma semaphore(%arg9 : memref<!tpu.dma_semaphore, #tpu.memory_space<semaphore_mem>>) src(%arg7 : memref<40x128xf32, #tpu.memory_space<vmem>>) dst(%dma_wait3A_70 : memref<10240x128xf32, #tpu.memory_space<vmem_shared>>)
    %barrier3A_71 = arith.constant 0 : index
    tpu.barrier barrier_id(%barrier3A_71)
    %mul3A_72 = arith.constant 640 : i32
    %mul3A_73 = arith.muli %arg1, %mul3A_72 : i32
    %mul3A_74 = arith.constant 640 : i32
    %mul3A_75 = arith.muli %arg1, %mul3A_74 : i32
    "tpu.region"() ({
      %run_scoped3A_76 = tpu.sem_alloc : memref<!tpu.dma_semaphore, #tpu.memory_space<semaphore_mem>>
      %dma_start3A_77 = arith.constant 0 : i32
      %dma_start3A_78 = tpu.memref_slice %arg5[%arg0, %mul3A_75, %dma_start3A_77] : memref<2x10240x128xf32, #tpu.memory_space<hbm>> -> memref<1x640x128xf32, #tpu.memory_space<hbm>>
      %dma_start3A_79 = tpu.memref_squeeze %dma_start3A_78 : memref<1x640x128xf32, #tpu.memory_space<hbm>> -> memref<640x128xf32, #tpu.memory_space<hbm>>
      %dma_start3A_80 = arith.constant 0 : i32
      %dma_start3A_81 = tpu.memref_slice %arg10[%mul3A_73, %dma_start3A_80] : memref<10240x128xf32, #tpu.memory_space<vmem_shared>> -> memref<640x128xf32, #tpu.memory_space<vmem_shared>>
      tpu.enqueue_dma source(%dma_start3A_81 : memref<640x128xf32, #tpu.memory_space<vmem_shared>>) target(%dma_start3A_79 : memref<640x128xf32, #tpu.memory_space<hbm>>) target_semaphore(%run_scoped3A_76 : memref<!tpu.dma_semaphore, #tpu.memory_space<semaphore_mem>>)
      %dma_wait3A_82 = arith.constant 0 : i32
      %dma_wait3A_83 = tpu.memref_slice %arg5[%arg0, %mul3A_75, %dma_wait3A_82] : memref<2x10240x128xf32, #tpu.memory_space<hbm>> -> memref<1x640x128xf32, #tpu.memory_space<hbm>>
      %dma_wait3A_84 = tpu.memref_squeeze %dma_wait3A_83 : memref<1x640x128xf32, #tpu.memory_space<hbm>> -> memref<640x128xf32, #tpu.memory_space<hbm>>
      %dma_wait3A_85 = arith.constant 0 : i32
      %dma_wait3A_86 = tpu.memref_slice %arg10[%mul3A_73, %dma_wait3A_85] : memref<10240x128xf32, #tpu.memory_space<vmem_shared>> -> memref<640x128xf32, #tpu.memory_space<vmem_shared>>
      tpu.wait_dma2 semaphore(%run_scoped3A_76 : memref<!tpu.dma_semaphore, #tpu.memory_space<semaphore_mem>>) src(%dma_wait3A_86 : memref<640x128xf32, #tpu.memory_space<vmem_shared>>) dst(%dma_wait3A_84 : memref<640x128xf32, #tpu.memory_space<hbm>>)
      tpu.yield
    }) : () -> ()
    return
  }
}

module attributes {stable_mosaic.version = 14 : i64} {
  func.func @_tc1_body(%arg0: i32, %arg1: memref<1000x128xf32, #tpu.memory_space<vmem>>, %arg2: memref<128x128xf32, #tpu.memory_space<vmem>>, %arg3: memref<2x10240x128xf32, #tpu.memory_space<vmem>>, %arg4: memref<1000x128xf32, #tpu.memory_space<vmem>>) attributes {dimension_semantics = [#tpu.dimension_semantics<arbitrary>], iteration_bounds = array<i64: 10>, scalar_prefetch = 0 : i64, scratch_operands = 0 : i64, tpu.core_type = #tpu.core_type<tc>, window_params = [{transform_indices = @transform_0, window_bounds = array<i64: 1000, 128>}, {pipeline_mode = #tpu.pipeline_mode<synchronous>, transform_indices = @transform_1, window_bounds = array<i64: 128, 128>}, {pipeline_mode = #tpu.pipeline_mode<synchronous>, transform_indices = @transform_2, window_bounds = array<i64: 2, 10240, 128>}, {transform_indices = @transform_3, window_bounds = array<i64: 1000, 128>}]} {
    %get3A = arith.constant 0 : index
    %get3A_0 = arith.constant 0 : index
    %get3A_1 = vector.load %arg1[%get3A, %get3A_0] : memref<1000x128xf32, #tpu.memory_space<vmem>>, vector<1000x128xf32>
    %get3A_2 = arith.constant 0 : index
    %get3A_3 = arith.constant 0 : index
    %get3A_4 = vector.load %arg2[%get3A_2, %get3A_3] : memref<128x128xf32, #tpu.memory_space<vmem>>, vector<128x128xf32>
    %dot_general3A = arith.constant dense<0.000000e+00> : vector<1000x128xf32>
    %dot_general3A_5 = tpu.matmul %get3A_1, %get3A_4, %dot_general3A {dimension_numbers = #tpu.dot_dimension_numbers<[1], [0], [0], [1], [0, 0, 1, 1], [], []>, transpose_lhs_hint = false} : vector<1000x128xf32>, vector<128x128xf32>, vector<1000x128xf32> -> vector<1000x128xf32>
    %mul3A = arith.constant 1000 : i32
    %mul3A_6 = arith.muli %arg0, %mul3A : i32
    %get3A_7 = arith.constant 0 : index
    %get3A_8 = arith.index_cast %mul3A_6 : i32 to index
    %get3A_9 = arith.constant 0 : index
    %get3A_10 = vector.load %arg3[%get3A_7, %get3A_8, %get3A_9] : memref<2x10240x128xf32, #tpu.memory_space<vmem>>, vector<1x1000x1xf32>
    %get3A_11 = vector.shape_cast %get3A_10 : vector<1x1000x1xf32> to vector<1000x1xf32>
    %mul3A_12 = arith.constant 1000 : i32
    %mul3A_13 = arith.muli %arg0, %mul3A_12 : i32
    %get3A_14 = arith.constant 1 : index
    %get3A_15 = arith.index_cast %mul3A_13 : i32 to index
    %get3A_16 = arith.constant 0 : index
    %get3A_17 = vector.load %arg3[%get3A_14, %get3A_15, %get3A_16] : memref<2x10240x128xf32, #tpu.memory_space<vmem>>, vector<1x1000x1xf32>
    %get3A_18 = vector.shape_cast %get3A_17 : vector<1x1000x1xf32> to vector<1000x1xf32>
    %add3A = arith.addf %get3A_11, %get3A_18 : vector<1000x1xf32>
    %add3A_19 = arith.constant 1.000000e+00 : f32
    %add3A_20 = vector.broadcast %add3A_19 : f32 to vector<1000x1xf32>
    %add3A_21 = arith.addf %add3A, %add3A_20 : vector<1000x1xf32>
    %sqrt3A = math.sqrt %add3A_21 : vector<1000x1xf32>
    %div3A = arith.constant 1.000000e+00 : f32
    %div3A_22 = vector.broadcast %div3A : f32 to vector<1000x1xf32>
    %div3A_23 = arith.divf %div3A_22, %sqrt3A : vector<1000x1xf32>
    %mul3A_24 = vector.broadcast %div3A_23 : vector<1000x1xf32> to vector<1000x128xf32>
    %mul3A_25 = arith.mulf %dot_general3A_5, %mul3A_24 : vector<1000x128xf32>
    %swap3A = arith.constant 0 : index
    %swap3A_26 = arith.constant 0 : index
    %swap3A_27 = vector.load %arg4[%swap3A, %swap3A_26] : memref<1000x128xf32, #tpu.memory_space<vmem>>, vector<1000x128xf32>
    tpu.vector_store %arg4[%swap3A, %swap3A_26], %mul3A_25 {strides = array<i32>} : memref<1000x128xf32, #tpu.memory_space<vmem>>, vector<1000x128xf32>,
    return
  }
  func.func @transform_0(%arg0: i32) -> (i32, i32) {
    %c0_i32 = arith.constant 0 : i32
    %c0_i32_0 = arith.constant 0 : i32
    return %arg0, %c0_i32 : i32, i32
  }
  func.func @transform_1(%arg0: i32) -> (i32, i32) {
    %c0_i32 = arith.constant 0 : i32
    %c0_i32_0 = arith.constant 0 : i32
    %c0_i32_1 = arith.constant 0 : i32
    return %c0_i32, %c0_i32_0 : i32, i32
  }
  func.func @transform_2(%arg0: i32) -> (i32, i32, i32) {
    %c0_i32 = arith.constant 0 : i32
    %c0_i32_0 = arith.constant 0 : i32
    %c0_i32_1 = arith.constant 0 : i32
    %c0_i32_2 = arith.constant 0 : i32
    return %c0_i32, %c0_i32_0, %c0_i32_1 : i32, i32, i32
  }
  func.func @transform_3(%arg0: i32) -> (i32, i32) {
    %c0_i32 = arith.constant 0 : i32
    %c0_i32_0 = arith.constant 0 : i32
    return %arg0, %c0_i32 : i32, i32
  }
}

module attributes {stable_mosaic.version = 14 : i64} {
  func.func @_tc2_body(%arg0: i32, %arg1: memref<2x10240x128xf32, #tpu.memory_space<vmem>>, %arg2: memref<1000x128xf32, #tpu.memory_space<vmem>>, %arg3: memref<2x10240x128xf32, #tpu.memory_space<vmem>>, %arg4: memref<1x128xf32, #tpu.memory_space<vmem>>, %arg5: memref<1000x128xf32, #tpu.memory_space<vmem>>) attributes {dimension_semantics = [#tpu.dimension_semantics<arbitrary>], iteration_bounds = array<i64: 10>, scalar_prefetch = 0 : i64, scratch_operands = 0 : i64, tpu.core_type = #tpu.core_type<tc>, window_params = [{pipeline_mode = #tpu.pipeline_mode<synchronous>, transform_indices = @transform_0, window_bounds = array<i64: 2, 10240, 128>}, {transform_indices = @transform_1, window_bounds = array<i64: 1000, 128>}, {pipeline_mode = #tpu.pipeline_mode<synchronous>, transform_indices = @transform_2, window_bounds = array<i64: 2, 10240, 128>}, {pipeline_mode = #tpu.pipeline_mode<synchronous>, transform_indices = @transform_3, window_bounds = array<i64: 1, 128>}, {transform_indices = @transform_4, window_bounds = array<i64: 1000, 128>}]} {
    %mul3A = arith.constant 1000 : i32
    %mul3A_0 = arith.muli %arg0, %mul3A : i32
    %get3A = arith.constant 0 : index
    %get3A_1 = arith.index_cast %mul3A_0 : i32 to index
    %get3A_2 = arith.constant 0 : index
    %get3A_3 = vector.load %arg1[%get3A, %get3A_1, %get3A_2] : memref<2x10240x128xf32, #tpu.memory_space<vmem>>, vector<1x1000x128xf32>
    %get3A_4 = vector.shape_cast %get3A_3 : vector<1x1000x128xf32> to vector<1000x128xf32>
    %get3A_5 = arith.constant 1 : index
    %get3A_6 = arith.index_cast %mul3A_0 : i32 to index
    %get3A_7 = arith.constant 0 : index
    %get3A_8 = vector.load %arg1[%get3A_5, %get3A_6, %get3A_7] : memref<2x10240x128xf32, #tpu.memory_space<vmem>>, vector<1x1000x128xf32>
    %get3A_9 = vector.shape_cast %get3A_8 : vector<1x1000x128xf32> to vector<1000x128xf32>
    %add3A = arith.addf %get3A_4, %get3A_9 : vector<1000x128xf32>
    %get3A_10 = arith.constant 0 : index
    %get3A_11 = arith.constant 0 : index
    %get3A_12 = vector.load %arg2[%get3A_10, %get3A_11] : memref<1000x128xf32, #tpu.memory_space<vmem>>, vector<1000x128xf32>
    %add3A_13 = arith.addf %add3A, %get3A_12 : vector<1000x128xf32>
    %get3A_14 = arith.constant 0 : index
    %get3A_15 = arith.index_cast %mul3A_0 : i32 to index
    %get3A_16 = arith.constant 0 : index
    %get3A_17 = vector.load %arg3[%get3A_14, %get3A_15, %get3A_16] : memref<2x10240x128xf32, #tpu.memory_space<vmem>>, vector<1x1000x1xf32>
    %get3A_18 = vector.shape_cast %get3A_17 : vector<1x1000x1xf32> to vector<1000x1xf32>
    %get3A_19 = arith.constant 1 : index
    %get3A_20 = arith.index_cast %mul3A_0 : i32 to index
    %get3A_21 = arith.constant 0 : index
    %get3A_22 = vector.load %arg3[%get3A_19, %get3A_20, %get3A_21] : memref<2x10240x128xf32, #tpu.memory_space<vmem>>, vector<1x1000x1xf32>
    %get3A_23 = vector.shape_cast %get3A_22 : vector<1x1000x1xf32> to vector<1000x1xf32>
    %add3A_24 = arith.addf %get3A_18, %get3A_23 : vector<1000x1xf32>
    %add3A_25 = arith.constant 1.000000e+00 : f32
    %add3A_26 = vector.broadcast %add3A_25 : f32 to vector<1000x1xf32>
    %add3A_27 = arith.addf %add3A_24, %add3A_26 : vector<1000x1xf32>
    %sqrt3A = math.sqrt %add3A_27 : vector<1000x1xf32>
    %div3A = arith.constant 1.000000e+00 : f32
    %div3A_28 = vector.broadcast %div3A : f32 to vector<1000x1xf32>
    %div3A_29 = arith.divf %div3A_28, %sqrt3A : vector<1000x1xf32>
    %mul3A_30 = vector.broadcast %div3A_29 : vector<1000x1xf32> to vector<1000x128xf32>
    %mul3A_31 = arith.mulf %add3A_13, %mul3A_30 : vector<1000x128xf32>
    %get3A_32 = arith.constant 0 : index
    %get3A_33 = arith.constant 0 : index
    %get3A_34 = vector.load %arg4[%get3A_32, %get3A_33] : memref<1x128xf32, #tpu.memory_space<vmem>>, vector<1x128xf32>
    %add3A_35 = vector.broadcast %get3A_34 : vector<1x128xf32> to vector<1000x128xf32>
    %add3A_36 = arith.addf %mul3A_31, %add3A_35 : vector<1000x128xf32>
    %swap3A = arith.constant 0 : index
    %swap3A_37 = arith.constant 0 : index
    %swap3A_38 = vector.load %arg5[%swap3A, %swap3A_37] : memref<1000x128xf32, #tpu.memory_space<vmem>>, vector<1000x128xf32>
    tpu.vector_store %arg5[%swap3A, %swap3A_37], %add3A_36 {strides = array<i32>} : memref<1000x128xf32, #tpu.memory_space<vmem>>, vector<1000x128xf32>,
    return
  }
  func.func @transform_0(%arg0: i32) -> (i32, i32, i32) {
    %c0_i32 = arith.constant 0 : i32
    %c0_i32_0 = arith.constant 0 : i32
    %c0_i32_1 = arith.constant 0 : i32
    %c0_i32_2 = arith.constant 0 : i32
    return %c0_i32, %c0_i32_0, %c0_i32_1 : i32, i32, i32
  }
  func.func @transform_1(%arg0: i32) -> (i32, i32) {
    %c0_i32 = arith.constant 0 : i32
    %c0_i32_0 = arith.constant 0 : i32
    return %arg0, %c0_i32 : i32, i32
  }
  func.func @transform_2(%arg0: i32) -> (i32, i32, i32) {
    %c0_i32 = arith.constant 0 : i32
    %c0_i32_0 = arith.constant 0 : i32
    %c0_i32_1 = arith.constant 0 : i32
    %c0_i32_2 = arith.constant 0 : i32
    return %c0_i32, %c0_i32_0, %c0_i32_1 : i32, i32, i32
  }
  func.func @transform_3(%arg0: i32) -> (i32, i32) {
    %c0_i32 = arith.constant 0 : i32
    %c0_i32_0 = arith.constant 0 : i32
    %c0_i32_1 = arith.constant 0 : i32
    return %c0_i32, %c0_i32_0 : i32, i32
  }
  func.func @transform_4(%arg0: i32) -> (i32, i32) {
    %c0_i32 = arith.constant 0 : i32
    %c0_i32_0 = arith.constant 0 : i32
    return %arg0, %c0_i32 : i32, i32
  }
}

</mosaic_0001>

<sc_bundles>
// kernel: kernel.6.cloned.1.call-start
scs
__scs_entry_jumppad:
0x0: {  	(pc) =	sbr.rel $0x88, $3  }
0x1: {  	(tag) =	ssettag $0x0;
	lr =	simm.s32 $0x1  }
0x2: {  	[smem:$0x3F9D] =	sst lr;
	_ =	strace $0xD0000000  }
0x3: {  	_ = 	snop  }
0x4: {  	_ = 	snop  }
0x5: {  	_ = 	snop  }
0x6: {  	_ = 	snop  }
0x7: {  	_ = 	snop  }
__scs_overlays_trampoline_lowered:
0x8: {  	[smem:$0x3FAC] =	sst s0  }
0x9: {  	[smem:$0x3FAD] =	sst s1  }
0xa: {  	[smem:$0x3FAE] =	sst s2  }
0xb: {  	[smem:$0x3FAF] =	sst s3  }
0xc: {  	[smem:$0x3FB0] =	sst s4  }
0xd: {  	[smem:$0x3FB1] =	sst s5  }
0xe: {  	[smem:$0x3FB2] =	sst s6  }
0xf: {  	[smem:$0x3FB3] =	sst s7  }
0x10: {  	[smem:$0x3FB4] =	sst s8  }
0x11: {  	[smem:$0x3FB5] =	sst s9;
	s0 =	simm.s32 @!p0 $0x0  }
0x12: {  	s1 =	sld [smem:$0x3F9B];
	s0 =	simm.s32 @p0 $0x1  }
0x13: {  	[smem:$0x3FB6] =	sst s0;
	s0 =	simm.s32 @!p1 $0x0  }
0x14: {  	s2 =	sld [smem:$0x3F9A];
	s0 =	simm.s32 @p1 $0x1  }
0x15: {  	[smem:$0x3FB7] =	sst s0;
	s0 =	simm.s32 @!p2 $0x0  }
0x16: {  	s3 =	sld [smem:$0x3FDB];
	s0 =	simm.s32 @p2 $0x1  }
0x17: {  	s4 =	simm.s32 $0x1BF5;
	[smem:$0x3FB9] =	sst s0  }
0x18: {  	s0 =	sld [smem:$0x3F9C];
	_ =	swait.ge [sflag:s4], $0x0  }
0x19: {  	s7 =	sld [smem:$0x3F9D]  }
0x1a: {  	s8 =	sadd.s32 $0xFFFFE003, lr  }
0x1b: {  	s9 =	sadd.s32 $0xFFFFFEF7, lr;
	s5 =	simm.s32 $0xFFFFFFFF;
	p2 =	slt.u32 s8, $0xFFFFF086  }
0x1c: {  	p1 =	slt.u32 s9, $0xF7A;
	s5 =	simm.s32 @!p2 $0x0  }
0x1d: {  	s5 =	simm.s32 @p1 $0x1;
	p0 =	seq.s32 s7, s2  }
0x1e: {  	s7 =	smul.u32 @!p0 $0xF7A, s2;
	p2 =	seq.s32 @!p0 s5, $0x0  }
0x1f: {  	s9 =	smul.u32 $0xF7A, s1;
	s8 =	simm.s32 @!p0 $0x1BF5;
	p2 =	por !p2, p0  }
0x20: {  	[sflag:s8] =	ssyncset.s32 @!p0 $0xFFFFF086;
	s6 =	sadd.s32 @!p0 s3, s7;
	s7 =	simm.s32 @!p0 $0x108  }
0x21: {  	s3 =	sadd.s32 s3, s9;
	s6 =	sadd.s32 @!p0 $0x88, s6;
	s7 =	simm.s32 @p2 $0x1082  }
0x22: {  	[simem:s7], [sflag:s8] =	dma.local @!p0 [hbm:s6], $0xF7A  }
0x23: {  	s9 =	sor.u32 $0xD0000000, s2;
	s6 =	simm.s32 $0x108;
	_ =	swait.ge @!p0 [sflag:s8], $0x0  }
0x24: {  	s3 =	sadd.s32 $0x88, s3;
	s6 =	simm.s32 @!p1 $0x1082;
	[sflag:s4] =	ssyncset.s32 $0xFFFFF086  }
0x25: {  	[simem:s6], [sflag:s4] =	dma.local [hbm:s3], $0xF7A  }
0x26: {  	[smem:$0x3F9D] =	sst s1;
	(tag) =	ssettag s2;
	_ =	strace s9  }
0x27: {  	s1 =	sld [smem:$0x3FAD]  }
0x28: {  	s2 =	sld [smem:$0x3FAE]  }
0x29: {  	s4 =	sld [smem:$0x3FB0]  }
0x2a: {  	p0 =	seq.s32 s5, $0x0;
	s5 =	sld [smem:$0x3FB1]  }
0x2b: {  	s6 =	sld [smem:$0x3FB2]  }
0x2c: {  	s7 =	sld [smem:$0x3FB3]  }
0x2d: {  	s3 =	simm.s32 $0x108;
	s8 =	sld [smem:$0x3FB4]  }
0x2e: {  	s3 =	simm.s32 @!p0 $0x1082;
	s9 =	sld [smem:$0x3FB5]  }
0x2f: {  	lr =	sadd.s32 s0, s3;
	s0 =	sld [smem:$0x3FAC]  }
0x30: {  	s3 =	sld [smem:$0x3FAF]  }
0x31: {  	[smem:$0x3FB8] =	sst s10  }
0x32: {  	s10 =	sld [smem:$0x3FB6];
	_ =	sdelay $0x3  }
0x33: {  	p0 =	seq.s32 s10, $0x1;
	s10 =	sld [smem:$0x3FB8];
	_ =	sdelay $0x3  }
0x34: {  	[smem:$0x3FB8] =	sst s10  }
0x35: {  	s10 =	sld [smem:$0x3FB7];
	_ =	sdelay $0x3  }
0x36: {  	p1 =	seq.s32 s10, $0x1;
	s10 =	sld [smem:$0x3FB8];
	_ =	sdelay $0x3  }
0x37: {  	[smem:$0x3FB8] =	sst s10  }
0x38: {  	s10 =	sld [smem:$0x3FB9]  }
0x39: {  	_ = 	snop;
	(pc) =	sbr.ind lr, $3  }
0x3a: {  	_ = 	snop  }
0x3b: {  	_ = 	snop  }
0x3c: {  	p2 =	seq.s32 s10, $0x1;
	s10 =	sld [smem:$0x3FB8]  }
0x3d: {  	_ =	shalt  }
0x3e: {  	_ =	shalt  }
0x3f: {  	_ =	shalt  }
0x40: {  	_ =	shalt  }
0x41: {  	_ =	shalt  }
0x42: {  	_ =	shalt  }
0x43: {  	_ =	shalt  }
0x44: {  	_ =	shalt  }
0x45: {  	_ =	shalt  }
0x46: {  	_ =	shalt  }
0x47: {  	_ =	shalt  }
0x48: {  	_ =	shalt  }
0x49: {  	_ =	shalt  }
0x4a: {  	_ =	shalt  }
0x4b: {  	_ =	shalt  }
0x4c: {  	_ =	shalt  }
0x4d: {  	_ =	shalt  }
0x4e: {  	_ =	shalt  }
0x4f: {  	_ =	shalt  }
0x50: {  	_ =	shalt  }
0x51: {  	_ =	shalt  }
0x52: {  	_ =	shalt  }
0x53: {  	_ =	shalt  }
0x54: {  	_ =	shalt  }
0x55: {  	_ =	shalt  }
0x56: {  	_ =	shalt  }
0x57: {  	_ =	shalt  }
0x58: {  	_ =	shalt  }
0x59: {  	_ =	shalt  }
0x5a: {  	_ =	shalt  }
0x5b: {  	_ =	shalt  }
0x5c: {  	_ =	shalt  }
0x5d: {  	_ =	shalt  }
0x5e: {  	_ =	shalt  }
0x5f: {  	_ =	shalt  }
0x60: {  	_ =	shalt  }
0x61: {  	_ =	shalt  }
0x62: {  	_ =	shalt  }
0x63: {  	_ =	shalt  }
0x64: {  	_ =	shalt  }
0x65: {  	_ =	shalt  }
0x66: {  	_ =	shalt  }
0x67: {  	_ =	shalt  }
0x68: {  	_ =	shalt  }
0x69: {  	_ =	shalt  }
0x6a: {  	_ =	shalt  }
0x6b: {  	_ =	shalt  }
0x6c: {  	_ =	shalt  }
0x6d: {  	_ =	shalt  }
0x6e: {  	_ =	shalt  }
0x6f: {  	_ =	shalt  }
0x70: {  	_ =	shalt  }
0x71: {  	_ =	shalt  }
0x72: {  	_ =	shalt  }
0x73: {  	_ =	shalt  }
0x74: {  	_ =	shalt  }
0x75: {  	_ =	shalt  }
0x76: {  	_ =	shalt  }
0x77: {  	_ =	shalt  }
0x78: {  	_ =	shalt  }
0x79: {  	_ =	shalt  }
0x7a: {  	_ =	shalt  }
0x7b: {  	_ =	shalt  }
0x7c: {  	_ =	shalt  }
0x7d: {  	_ =	shalt  }
0x7e: {  	_ =	shalt  }
0x7f: {  	_ =	shalt  }
0x80: {  	_ =	shalt  }
0x81: {  	_ =	shalt  }
0x82: {  	_ =	shalt  }
0x83: {  	_ =	shalt  }
0x84: {  	_ =	shalt  }
0x85: {  	_ =	shalt  }
0x86: {  	_ =	shalt  }
0x87: {  	_ =	shalt  }
.Lfunc_end0:
.L_simem_size_0:
called_computation_lowered:
.L_overlay_start_0:
0x88: {  	s2 =	sld [smem:$0x3FD9]  }
0x89: {  	s3 =	sld [smem:$0x3FFE];
	_ =	sdelay $0x1  }
0x8a: {  	s1 =	srdreg.scid  }
0x8b: {  	s0 =	sand.u32 $0x1, s1  }
0x8c: {  	s17 =	sshll.u32 s0, $0xA;
	s2 =	sadd.s32 s3, s2  }
0x8d: {  	s2 =	sadd.s32 s2, s17  }
0x8e: {  	[smem:$0x3FC4] =	sst s2  }
0x8f: {  	_ = 	snop  }
0x90: {  	s2 =	sld [smem:$0x3FD0];
	(tm) =	ssettm $0x1  }
0x91: {  	s18 =	sld [smem:$0x3FFB];
	_ =	sdelay $0x3  }
0x92: {  	_ =	strace s18  }
0x93: {  	s3 =	sld [smem:$0x3FFC];
	_ =	sdelay $0x3  }
0x94: {  	_ =	strace s3  }
0x95: {  	s3 =	sld [smem:$0x3FFD];
	_ =	sdelay $0x3  }
0x96: {  	_ =	strace s3  }
0x97: {  	_ =	strace $0x8FFFFFFF  }
0x98: {  	s19 =	sld [smem:$0x3FDB];
	_ =	sdelay $0x1  }
0x99: {  	s4 =	simm.s32 $_scs_section_size  }
0x9a: {  	s5 =	simm.s32 $_size__tile_overlayer_lowered;
	s6 =	simm.s32 $_tile_overlayer_lowered  }
0x9b: {  	s22 =	simm.s32 $0x1BFF;
	s21 =	sshll.u32 s6, $0x1;
	s3 =	sadd.s32 s4, s19  }
0x9c: {  	s7 =	simm.s32 $0x0;
	s20 =	sshll.u32 s5, $0x1;
	s5 =	sadd.s32 s21, s3  }
0x9d: {  	[timem:s7], [sflag:s22] =	dma.local [hbm:s5], s20  }
0x9e: {  	_ =	swait.ge [sflag:s22], s20  }
0x9f: {  	s4 =	ssub.s32 $0x0, s20;
	[sflag:s22] =	ssyncset.done $0x0  }
0xa0: {  	[sflag:s22] =	ssyncadd.s32 s4;
	_ =	sdelay $0x1  }
0xa1: {  	s23 =	simm.s32 $0x1B8B  }
0xa2: {  	_ =	swait.ge [sflag:s23], $0x1  }
0xa3: {  	[sflag:s23] =	ssyncset.done $0x0  }
0xa4: {  	s25 =	simm.s32 $0x1B8E;
	s24 =	sld [smem:$0x3FFE];
	[sflag:s23] =	ssyncadd.s32 $0xFFFFFFFF  }
0xa5: {  	s26 =	simm.s32 $execute0_lowered;
	[smem:$0x3FD2] =	sst s25  }
0xa6: {  	s5 =	sshll.u32 s26, $0x1;
	_ =	strace $0x80000046;
	[dreg:$0x1] =	wrdreg $0xFFFFFFFF  }
0xa7: {  	s28 =	simm.s32 $_size_execute0_lowered;
	s3 =	sadd.s32 s3, s5;
	[dreg:$0x0] =	wrdreg $0x0  }
0xa8: {  	s5 =	sshll.u32 s28, $0x1;
	[dreg:$0x2] =	wrdreg s3  }
0xa9: {  	[dreg:$0x3] =	wrdreg s5  }
0xaa: {  	[dreg:$0x4] =	wrdreg $0xC0  }
0xab: {  	_ =	task [dreg:s7], $0x5FFFF  }
0xac: {  	[dreg:$0x1] =	wrdreg $0xFFFFFFFF  }
0xad: {  	[dreg:$0x0] =	wrdreg $0x60  }
0xae: {  	[dreg:$0x2] =	wrdreg s2  }
0xaf: {  	[dreg:$0x3] =	wrdreg s24  }
0xb0: {  	[dreg:$0x4] =	wrdreg $0x54000  }
0xb1: {  	[dreg:$0x5] =	wrdreg $0x9  }
0xb2: {  	_ =	task.clear_ibuf [dreg:s7], $0x6FFFF;
	_ =	strace $0x90000046  }
0xb3: {  	s29 =	simm.s32 $0x9;
	_ =	strace $0x80000048  }
0xb4: {  	_ =	swait.ge [sflag:s29], $0x1  }
0xb5: {  	[sflag:s29] =	ssyncadd.s32 $0xFFFFFFFF  }
0xb6: {  	_ =	strace $0x90000048  }
0xb7: {  	_ =	sfence  }
0xb8: {  	s30 =	sld [smem:$0x0];
	_ =	sdelay $0x2  }
0xb9: {  	s31 =	sshll.u32 s1, $0xD;
	s1 =	sshrl.u32 s1, $0x2  }
0xba: {  	s3 =	sand.u32 $0x4000, s31;
	s1 =	sadd.s32 s1, s30  }
0xbb: {  	s0 =	sor.u32 s3, s0;
	s1 =	sshll.u32 s1, $0x11  }
0xbc: {  	s0 =	sor.u32 s1, s0  }
0xbd: {  	s0 =	sadd.s32 $0x8F2B, s0  }
0xbe: {  	[sflag:s0] =	ssyncadd.remote.s32 $0x1  }
0xbf: {  	_ =	sfence.sel $0xFFFF  }
0xc0: {  	[dreg:$0x0] =	wrdreg $0xFFFFFFFF;
	(pc) =	sbr.abs _section_cstart, $3  }
0xc1: {  	[dreg:$0x1] =	wrdreg $0xFFFFFFFF  }
0xc2: {  	_ =	task.clear_ibuf [dreg:s7], $0x2FFFF;
	_ =	strace $0x9FFFFFFF  }
0xc3: {  	(tm) =	ssettm $0x7FFFFFFF  }
tec
execute0_lowered:
.L_overlay_start_1:
0x0: {  	(tag) =	ssettag $0x1  }
0x1: {  	s5 =	rddreg [dreg:$0x0]  }
0x2: {  	s6 =	rddreg [dreg:$0x1];
	s0 =	stileid.u32  }
0x3: {  	s1 =	srdreg.scid;
	s2 =	rddreg [dreg:$0x2]  }
0x4: {  	s3 =	simm.s32 $0x0;
	s13 =	simm.s32 $0x4000;
	s14 =	simm.s32 $0x28  }
0x5: {  	s15 =	simm.s32 $0x80;
	s16 =	simm.s32 $0x1;
	s17 =	simm.s32 $0x0  }
0x6: {  	s4 =	smul.u32 $0x14000, s0;
	s7 =	sand.u32 $0x1, s1;
	s1 =	rddreg [dreg:$0x3]  }
0x7: {  	[smem:$0x7FF] =	sst s3;
	s28 =	smul.u32 $0x50000, s0;
	s12 =	sshll.u32 s0, $0xD  }
0x8: {  	s31 =	sshll.u32 s0, $0x6;
	s8 =	smul.u32 $0x140000, s7;
	_ =	strace $0x80000047  }
0x9: {  	s26 =	ssub.s32 $0x2, s7;
	s7 =	sshll.u32 s7, $0xC;
	s9 =	sshrl.u32 s4, $0x3  }
0xa: {  	s11 =	sshrl.u32 s26, $0x1;
	s29 =	sshrl.u32 s28, $0x2;
	s7 =	sor.u32 s7, s12  }
0xb: {  	s12 =	simm.s32 $0x2;
	s8 =	sadd.s32 s4, s8;
	s4 =	sadd.s32 $0xB400, s6  }
0xc: {  	s9 =	sadd.s32 s9, s6;
	s11 =	ssub.s32 s26, s11;
	s30 =	sadd.s32 s29, s2  }
0xd: {  	s5 =	sadd.s32 s5, s7;
	s7 =	sor.u32 $0x1C02, s31;
	s8 =	sshrl.u32 s8, $0x3  }
0xe: {  	s10 =	sadd.s32 s8, s6;
	s6 =	sadd.s32 $0xB800, s9;
	s8 =	sadd.s32 $0x800, s5  }
0xf: {  	s9 =	sadd.s32 $0x33800, s10;
	s10 =	smax.u32 s11, $0x1;
	s11 =	sshrl.u32 s30, $0x3  }
.LBB2_1:
0x10: {  	[spmem:s11], [sflag:s7] =	dma.local [hbm:s6], $0x2800  }
0x11: {  	_ =	swait.ge [sflag:s12], $0x2800  }
0x12: {  	[sflag:s12] =	ssyncset.done $0x0  }
0x13: {  	[sflag:s12] =	ssyncadd.s32 $0xFFFFD800  }
0x14: {  	[tilespmem:s13], [sflag:$0x2] =	stream.linear.gather [hbm4b:s4+s3], $0x1400, $0x38;
	[tilespmem:$0x19400] =	vst v63  }
0x15: {  	_ =	swait.ge [sflag:s12], $0x1400  }
0x16: {  	[sflag:s12] =	ssyncset.done $0x0  }
0x17: {  	[sflag:s12] =	ssyncadd.s32 $0xFFFFEC00  }
0x18: {  	[tilespmem:s3], [sflag:$0x2] =	stream.linear.gather [hbm4b:s5+s3], $0x3E80, $0x38;
	[tilespmem:$0x19400] =	vst v63  }
0x19: {  	_ =	swait.ge [sflag:s12], $0x3E80  }
0x1a: {  	[sflag:s12] =	ssyncset.done $0x0  }
0x1b: {  	[sflag:s12] =	ssyncadd.s32 $0xFFFFC180  }
0x1c: {  	[bflag:$0x0] =	sbarrier.arrive $0xFFFF  }
0x1d: {  	[spmem:s2] =	stream.indirect.scatter.add.f32 [tilespmem:s13], [sflag:$0x1], $0x80, s3, s14, $0xb8;
	[tilespmem:$0x19400] =	vst v63  }
0x1e: {  	_ = 	snop  }
0x1f: {  	[spmem:s2] =	stream.indirect.scatter.add.f32 [tilespmem:s13], [sflag:$0x1], $0x80, s15, s14, $0xb8;
	[tilespmem:$0x19400] =	vst v63  }
0x20: {  	_ =	swait.ge [sflag:s16], $0x1400  }
0x21: {  	[sflag:s16] =	ssyncset.done $0x0  }
0x22: {  	s18 =	simm.s32 $0x600;
	s19 =	simm.s32 $0x100;
	[sflag:s16] =	ssyncadd.s32 $0xFFFFEC00  }
.LBB2_2:
0x23: {  	[spmem:s2] =	stream.indirect.scatter.add.f32 [tilespmem:s13], [sflag:$0x1], $0x80, s19, s14, $0xb8;
	[tilespmem:$0x19400] =	vst v63  }
0x24: {  	s19 =	smov.u32 s18;
	p0 =	sne.s32 s18, $0xF800  }
.Ltmp0:
0x25: {  	s18 =	sadd.s32 $0x200, s18;
	(pc) =	sbr.rel @p0 .LBB2_2-.Ltmp0, $4  }
0x26: {  	_ = 	snop  }
0x27: {  	_ =	swait.ge [sflag:s16], $0x1400  }
0x28: {  	[sflag:s16] =	ssyncset.done $0x0  }
0x29: {  	s19 =	sshra.s32 s19, $0x2;
	[sflag:s16] =	ssyncadd.s32 $0xFFFFEC00  }
0x2a: {  	[spmem:s2] =	stream.indirect.scatter.add.f32 [tilespmem:s13], [sflag:$0x1], $0x80, s19, s14, $0xb8;
	[tilespmem:$0x19400] =	vst v63  }
0x2b: {  	_ =	swait.ge [sflag:s16], $0x1400  }
0x2c: {  	[sflag:s16] =	ssyncset.done $0x0  }
0x2d: {  	[sflag:s16] =	ssyncadd.s32 $0xFFFFEC00  }
0x2e: {  	_ =	swait.ge [sflag:s16], $0x1400  }
0x2f: {  	[sflag:s16] =	ssyncset.done $0x0  }
0x30: {  	[sflag:s16] =	ssyncadd.s32 $0xFFFFEC00  }
0x31: {  	[tilespmem:s3], [sflag:$0x2] =	stream.linear.gather [hbm4b:s8+s3], $0x3E80, $0x38;
	[tilespmem:$0x19400] =	vst v63  }
0x32: {  	_ =	swait.ge [sflag:s12], $0x3E80  }
0x33: {  	[sflag:s12] =	ssyncset.done $0x0  }
0x34: {  	[sflag:s12] =	ssyncadd.s32 $0xFFFFC180  }
0x35: {  	[spmem:s2] =	stream.indirect.scatter.add.f32 [tilespmem:s13], [sflag:$0x1], $0x80, s3, s14, $0xb8;
	[tilespmem:$0x19400] =	vst v63  }
0x36: {  	_ = 	snop  }
0x37: {  	[spmem:s2] =	stream.indirect.scatter.add.f32 [tilespmem:s13], [sflag:$0x1], $0x80, s15, s14, $0xb8;
	[tilespmem:$0x19400] =	vst v63  }
0x38: {  	_ =	swait.ge [sflag:s16], $0x1400  }
0x39: {  	[sflag:s16] =	ssyncset.done $0x0  }
0x3a: {  	s18 =	simm.s32 $0x600;
	s19 =	simm.s32 $0x100;
	[sflag:s16] =	ssyncadd.s32 $0xFFFFEC00  }
.LBB2_4:
0x3b: {  	[spmem:s2] =	stream.indirect.scatter.add.f32 [tilespmem:s13], [sflag:$0x1], $0x80, s19, s14, $0xb8;
	[tilespmem:$0x19400] =	vst v63  }
0x3c: {  	s19 =	smov.u32 s18;
	p0 =	sne.s32 s18, $0xF800  }
.Ltmp1:
0x3d: {  	s18 =	sadd.s32 $0x200, s18;
	(pc) =	sbr.rel @p0 .LBB2_4-.Ltmp1, $4  }
0x3e: {  	_ = 	snop  }
0x3f: {  	_ =	swait.ge [sflag:s16], $0x1400  }
0x40: {  	[sflag:s16] =	ssyncset.done $0x0  }
0x41: {  	s19 =	sshra.s32 s19, $0x2;
	[sflag:s16] =	ssyncadd.s32 $0xFFFFEC00  }
0x42: {  	[spmem:s2] =	stream.indirect.scatter.add.f32 [tilespmem:s13], [sflag:$0x1], $0x80, s19, s14, $0xb8;
	[tilespmem:$0x19400] =	vst v63  }
0x43: {  	_ =	swait.ge [sflag:s16], $0x1400  }
0x44: {  	[sflag:s16] =	ssyncset.done $0x0  }
0x45: {  	[sflag:s16] =	ssyncadd.s32 $0xFFFFEC00  }
0x46: {  	_ =	swait.ge [sflag:s16], $0x1400  }
0x47: {  	s17 =	sadd.s32 $0x1, s17;
	[sflag:s16] =	ssyncset.done $0x0  }
0x48: {  	p0 =	sne.s32 s17, s10;
	[sflag:s16] =	ssyncadd.s32 $0xFFFFEC00  }
.Ltmp2:
0x49: {  	[bflag:$0x0] =	sbarrier.arrive $0xFFFF;
	(pc) =	sbr.rel @p0 .LBB2_1-.Ltmp2, $4  }
0x4a: {  	[hbm:s9], [sflag:s7] =	dma.local [spmem:s11], $0x2800  }
0x4b: {  	_ =	swait.ge [sflag:s12], $0x2800  }
0x4c: {  	[sflag:s12] =	ssyncset.done $0x0  }
0x4d: {  	[sflag:s12] =	ssyncadd.s32 $0xFFFFD800  }
0x4e: {  	_ =	sfence.sel $0x180000  }
0x4f: {  	[bflag:$0x0] =	sbarrier.arrive $0xFFFF  }
0x50: {  	p0 =	sne.s32 s0, $0x0;
	_ =	strace $0x90000047  }
0x51: {  	s0 =	sadd.s32 @!p0 $0x100000, s1;
	[bflag:$0x2] =	sbarrier.arrive $0xFFFF  }
0x52: {  	[sflag:s0] =	ssyncadd.tile.s32 @!p0 $0x1;
	_ =	shalt  }
.Lfunc_end2:
_tile_overlayer_lowered:
.L_overlay_start_2:
0x53: {  	(tag) =	ssettag $0x2  }
0x54: {  	s0 =	rddreg [dreg:$0x0];
	s2 =	stileid.u32  }
0x55: {  	s1 =	rddreg [dreg:$0x1];
	p0 =	sne.s32 s2, $0x0  }
0x56: {  	s3 =	rddreg [dreg:$0x2];
	[bflag:$0x3] =	sbarrier.arrive $0xFFFF;
	s2 =	simm.s32 @!p0 $0x1C02  }
0x57: {  	[timem:s3], [sflag:s2] =	dma.local @!p0 [hbm:s0], s1  }
0x58: {  	s0 =	simm.s32 @!p0 $0x2  }
0x59: {  	_ =	swait.ge @!p0 [sflag:s0], s1  }
0x5a: {  	s1 =	ssub.s32 @!p0 $0x0, s1;
	[sflag:s0] =	ssyncset.done @!p0 $0x0  }
0x5b: {  	[sflag:s0] =	ssyncadd.s32 @!p0 s1  }
0x5c: {  	[bflag:$0x3] =	sbarrier.arrive $0xFFFF  }
0x5d: {  	_ =	shalt  }

// kernel: kernel.9.cloned.1.call-start
scs
__scs_entry_jumppad:
0x0: {  	(pc) =	sbr.rel $0x88, $3  }
0x1: {  	(tag) =	ssettag $0x0;
	lr =	simm.s32 $0x1  }
0x2: {  	[smem:$0x3F9D] =	sst lr;
	_ =	strace $0xD0000000  }
0x3: {  	_ = 	snop  }
0x4: {  	_ = 	snop  }
0x5: {  	_ = 	snop  }
0x6: {  	_ = 	snop  }
0x7: {  	_ = 	snop  }
__scs_overlays_trampoline_lowered:
0x8: {  	[smem:$0x3FAC] =	sst s0  }
0x9: {  	[smem:$0x3FAD] =	sst s1  }
0xa: {  	[smem:$0x3FAE] =	sst s2  }
0xb: {  	[smem:$0x3FAF] =	sst s3  }
0xc: {  	[smem:$0x3FB0] =	sst s4  }
0xd: {  	[smem:$0x3FB1] =	sst s5  }
0xe: {  	[smem:$0x3FB2] =	sst s6  }
0xf: {  	[smem:$0x3FB3] =	sst s7  }
0x10: {  	[smem:$0x3FB4] =	sst s8  }
0x11: {  	[smem:$0x3FB5] =	sst s9;
	s0 =	simm.s32 @!p0 $0x0  }
0x12: {  	s1 =	sld [smem:$0x3F9B];
	s0 =	simm.s32 @p0 $0x1  }
0x13: {  	[smem:$0x3FB6] =	sst s0;
	s0 =	simm.s32 @!p1 $0x0  }
0x14: {  	s2 =	sld [smem:$0x3F9A];
	s0 =	simm.s32 @p1 $0x1  }
0x15: {  	[smem:$0x3FB7] =	sst s0;
	s0 =	simm.s32 @!p2 $0x0  }
0x16: {  	s3 =	sld [smem:$0x3FDB];
	s0 =	simm.s32 @p2 $0x1  }
0x17: {  	s4 =	simm.s32 $0x1BF5;
	[smem:$0x3FB9] =	sst s0  }
0x18: {  	s0 =	sld [smem:$0x3F9C];
	_ =	swait.ge [sflag:s4], $0x0  }
0x19: {  	s7 =	sld [smem:$0x3F9D]  }
0x1a: {  	s8 =	sadd.s32 $0xFFFFE003, lr  }
0x1b: {  	s9 =	sadd.s32 $0xFFFFFEF7, lr;
	s5 =	simm.s32 $0xFFFFFFFF;
	p2 =	slt.u32 s8, $0xFFFFF086  }
0x1c: {  	p1 =	slt.u32 s9, $0xF7A;
	s5 =	simm.s32 @!p2 $0x0  }
0x1d: {  	s5 =	simm.s32 @p1 $0x1;
	p0 =	seq.s32 s7, s2  }
0x1e: {  	s7 =	smul.u32 @!p0 $0xF7A, s2;
	p2 =	seq.s32 @!p0 s5, $0x0  }
0x1f: {  	s9 =	smul.u32 $0xF7A, s1;
	s8 =	simm.s32 @!p0 $0x1BF5;
	p2 =	por !p2, p0  }
0x20: {  	[sflag:s8] =	ssyncset.s32 @!p0 $0xFFFFF086;
	s6 =	sadd.s32 @!p0 s3, s7;
	s7 =	simm.s32 @!p0 $0x108  }
0x21: {  	s3 =	sadd.s32 s3, s9;
	s6 =	sadd.s32 @!p0 $0x88, s6;
	s7 =	simm.s32 @p2 $0x1082  }
0x22: {  	[simem:s7], [sflag:s8] =	dma.local @!p0 [hbm:s6], $0xF7A  }
0x23: {  	s9 =	sor.u32 $0xD0000000, s2;
	s6 =	simm.s32 $0x108;
	_ =	swait.ge @!p0 [sflag:s8], $0x0  }
0x24: {  	s3 =	sadd.s32 $0x88, s3;
	s6 =	simm.s32 @!p1 $0x1082;
	[sflag:s4] =	ssyncset.s32 $0xFFFFF086  }
0x25: {  	[simem:s6], [sflag:s4] =	dma.local [hbm:s3], $0xF7A  }
0x26: {  	[smem:$0x3F9D] =	sst s1;
	(tag) =	ssettag s2;
	_ =	strace s9  }
0x27: {  	s1 =	sld [smem:$0x3FAD]  }
0x28: {  	s2 =	sld [smem:$0x3FAE]  }
0x29: {  	s4 =	sld [smem:$0x3FB0]  }
0x2a: {  	p0 =	seq.s32 s5, $0x0;
	s5 =	sld [smem:$0x3FB1]  }
0x2b: {  	s6 =	sld [smem:$0x3FB2]  }
0x2c: {  	s7 =	sld [smem:$0x3FB3]  }
0x2d: {  	s3 =	simm.s32 $0x108;
	s8 =	sld [smem:$0x3FB4]  }
0x2e: {  	s3 =	simm.s32 @!p0 $0x1082;
	s9 =	sld [smem:$0x3FB5]  }
0x2f: {  	lr =	sadd.s32 s0, s3;
	s0 =	sld [smem:$0x3FAC]  }
0x30: {  	s3 =	sld [smem:$0x3FAF]  }
0x31: {  	[smem:$0x3FB8] =	sst s10  }
0x32: {  	s10 =	sld [smem:$0x3FB6];
	_ =	sdelay $0x3  }
0x33: {  	p0 =	seq.s32 s10, $0x1;
	s10 =	sld [smem:$0x3FB8];
	_ =	sdelay $0x3  }
0x34: {  	[smem:$0x3FB8] =	sst s10  }
0x35: {  	s10 =	sld [smem:$0x3FB7];
	_ =	sdelay $0x3  }
0x36: {  	p1 =	seq.s32 s10, $0x1;
	s10 =	sld [smem:$0x3FB8];
	_ =	sdelay $0x3  }
0x37: {  	[smem:$0x3FB8] =	sst s10  }
0x38: {  	s10 =	sld [smem:$0x3FB9]  }
0x39: {  	_ = 	snop;
	(pc) =	sbr.ind lr, $3  }
0x3a: {  	_ = 	snop  }
0x3b: {  	_ = 	snop  }
0x3c: {  	p2 =	seq.s32 s10, $0x1;
	s10 =	sld [smem:$0x3FB8]  }
0x3d: {  	_ =	shalt  }
0x3e: {  	_ =	shalt  }
0x3f: {  	_ =	shalt  }
0x40: {  	_ =	shalt  }
0x41: {  	_ =	shalt  }
0x42: {  	_ =	shalt  }
0x43: {  	_ =	shalt  }
0x44: {  	_ =	shalt  }
0x45: {  	_ =	shalt  }
0x46: {  	_ =	shalt  }
0x47: {  	_ =	shalt  }
0x48: {  	_ =	shalt  }
0x49: {  	_ =	shalt  }
0x4a: {  	_ =	shalt  }
0x4b: {  	_ =	shalt  }
0x4c: {  	_ =	shalt  }
0x4d: {  	_ =	shalt  }
0x4e: {  	_ =	shalt  }
0x4f: {  	_ =	shalt  }
0x50: {  	_ =	shalt  }
0x51: {  	_ =	shalt  }
0x52: {  	_ =	shalt  }
0x53: {  	_ =	shalt  }
0x54: {  	_ =	shalt  }
0x55: {  	_ =	shalt  }
0x56: {  	_ =	shalt  }
0x57: {  	_ =	shalt  }
0x58: {  	_ =	shalt  }
0x59: {  	_ =	shalt  }
0x5a: {  	_ =	shalt  }
0x5b: {  	_ =	shalt  }
0x5c: {  	_ =	shalt  }
0x5d: {  	_ =	shalt  }
0x5e: {  	_ =	shalt  }
0x5f: {  	_ =	shalt  }
0x60: {  	_ =	shalt  }
0x61: {  	_ =	shalt  }
0x62: {  	_ =	shalt  }
0x63: {  	_ =	shalt  }
0x64: {  	_ =	shalt  }
0x65: {  	_ =	shalt  }
0x66: {  	_ =	shalt  }
0x67: {  	_ =	shalt  }
0x68: {  	_ =	shalt  }
0x69: {  	_ =	shalt  }
0x6a: {  	_ =	shalt  }
0x6b: {  	_ =	shalt  }
0x6c: {  	_ =	shalt  }
0x6d: {  	_ =	shalt  }
0x6e: {  	_ =	shalt  }
0x6f: {  	_ =	shalt  }
0x70: {  	_ =	shalt  }
0x71: {  	_ =	shalt  }
0x72: {  	_ =	shalt  }
0x73: {  	_ =	shalt  }
0x74: {  	_ =	shalt  }
0x75: {  	_ =	shalt  }
0x76: {  	_ =	shalt  }
0x77: {  	_ =	shalt  }
0x78: {  	_ =	shalt  }
0x79: {  	_ =	shalt  }
0x7a: {  	_ =	shalt  }
0x7b: {  	_ =	shalt  }
0x7c: {  	_ =	shalt  }
0x7d: {  	_ =	shalt  }
0x7e: {  	_ =	shalt  }
0x7f: {  	_ =	shalt  }
0x80: {  	_ =	shalt  }
0x81: {  	_ =	shalt  }
0x82: {  	_ =	shalt  }
0x83: {  	_ =	shalt  }
0x84: {  	_ =	shalt  }
0x85: {  	_ =	shalt  }
0x86: {  	_ =	shalt  }
0x87: {  	_ =	shalt  }
.Lfunc_end0:
.L_simem_size_0:
called_computation.1_lowered:
.L_overlay_start_0:
0x88: {  	s2 =	sld [smem:$0x3FD9]  }
0x89: {  	s3 =	sld [smem:$0x3FFE];
	_ =	sdelay $0x1  }
0x8a: {  	s1 =	srdreg.scid  }
0x8b: {  	s0 =	sand.u32 $0x1, s1  }
0x8c: {  	s17 =	sshll.u32 s0, $0xA;
	s2 =	sadd.s32 s3, s2  }
0x8d: {  	s2 =	sadd.s32 s2, s17  }
0x8e: {  	[smem:$0x3FC4] =	sst s2  }
0x8f: {  	_ = 	snop  }
0x90: {  	s2 =	sld [smem:$0x3FD0];
	(tm) =	ssettm $0x1  }
0x91: {  	s18 =	sld [smem:$0x3FFB];
	_ =	sdelay $0x3  }
0x92: {  	_ =	strace s18  }
0x93: {  	s3 =	sld [smem:$0x3FFC];
	_ =	sdelay $0x3  }
0x94: {  	_ =	strace s3  }
0x95: {  	s3 =	sld [smem:$0x3FFD];
	_ =	sdelay $0x3  }
0x96: {  	_ =	strace s3  }
0x97: {  	_ =	strace $0x8FFFFFFF  }
0x98: {  	s19 =	sld [smem:$0x3FDB];
	_ =	sdelay $0x1  }
0x99: {  	s4 =	simm.s32 $_scs_section_size  }
0x9a: {  	s5 =	simm.s32 $_size__tile_overlayer_lowered;
	s6 =	simm.s32 $_tile_overlayer_lowered  }
0x9b: {  	s22 =	simm.s32 $0x1BFF;
	s21 =	sshll.u32 s6, $0x1;
	s3 =	sadd.s32 s4, s19  }
0x9c: {  	s7 =	simm.s32 $0x0;
	s20 =	sshll.u32 s5, $0x1;
	s5 =	sadd.s32 s21, s3  }
0x9d: {  	[timem:s7], [sflag:s22] =	dma.local [hbm:s5], s20  }
0x9e: {  	_ =	swait.ge [sflag:s22], s20  }
0x9f: {  	s4 =	ssub.s32 $0x0, s20;
	[sflag:s22] =	ssyncset.done $0x0  }
0xa0: {  	[sflag:s22] =	ssyncadd.s32 s4;
	_ =	sdelay $0x1  }
0xa1: {  	s23 =	simm.s32 $0x1B8B  }
0xa2: {  	_ =	swait.ge [sflag:s23], $0x1  }
0xa3: {  	[sflag:s23] =	ssyncset.done $0x0  }
0xa4: {  	s25 =	simm.s32 $0x1B8E;
	s24 =	sld [smem:$0x3FFE];
	[sflag:s23] =	ssyncadd.s32 $0xFFFFFFFF  }
0xa5: {  	s26 =	simm.s32 $execute0_lowered;
	[smem:$0x3FD2] =	sst s25  }
0xa6: {  	s5 =	sshll.u32 s26, $0x1;
	_ =	strace $0x80000049;
	[dreg:$0x1] =	wrdreg $0xFFFFFFFF  }
0xa7: {  	s28 =	simm.s32 $_size_execute0_lowered;
	s3 =	sadd.s32 s3, s5;
	[dreg:$0x0] =	wrdreg $0x0  }
0xa8: {  	s5 =	sshll.u32 s28, $0x1;
	[dreg:$0x2] =	wrdreg s3  }
0xa9: {  	[dreg:$0x3] =	wrdreg s5  }
0xaa: {  	[dreg:$0x4] =	wrdreg $0xC0  }
0xab: {  	_ =	task [dreg:s7], $0x5FFFF  }
0xac: {  	[dreg:$0x1] =	wrdreg $0xFFFFFFFF  }
0xad: {  	[dreg:$0x0] =	wrdreg $0x60  }
0xae: {  	[dreg:$0x2] =	wrdreg s24  }
0xaf: {  	[dreg:$0x3] =	wrdreg s2  }
0xb0: {  	[dreg:$0x4] =	wrdreg $0xA3800  }
0xb1: {  	[dreg:$0x5] =	wrdreg $0x9  }
0xb2: {  	_ =	task.clear_ibuf [dreg:s7], $0x6FFFF;
	_ =	strace $0x90000049  }
0xb3: {  	s29 =	simm.s32 $0x9;
	_ =	strace $0x8000004B  }
0xb4: {  	_ =	swait.ge [sflag:s29], $0x1  }
0xb5: {  	[sflag:s29] =	ssyncadd.s32 $0xFFFFFFFF  }
0xb6: {  	_ =	strace $0x9000004B  }
0xb7: {  	_ =	sfence  }
0xb8: {  	s30 =	sld [smem:$0x0];
	_ =	sdelay $0x2  }
0xb9: {  	s31 =	sshll.u32 s1, $0xD;
	s1 =	sshrl.u32 s1, $0x2  }
0xba: {  	s3 =	sand.u32 $0x4000, s31;
	s1 =	sadd.s32 s1, s30  }
0xbb: {  	s0 =	sor.u32 s3, s0;
	s1 =	sshll.u32 s1, $0x11  }
0xbc: {  	s0 =	sor.u32 s1, s0  }
0xbd: {  	s0 =	sadd.s32 $0x8F2B, s0  }
0xbe: {  	[sflag:s0] =	ssyncadd.remote.s32 $0x1  }
0xbf: {  	_ =	sfence.sel $0xFFFF  }
0xc0: {  	[dreg:$0x0] =	wrdreg $0xFFFFFFFF;
	(pc) =	sbr.abs _section_cstart, $3  }
0xc1: {  	[dreg:$0x1] =	wrdreg $0xFFFFFFFF  }
0xc2: {  	_ =	task.clear_ibuf [dreg:s7], $0x2FFFF;
	_ =	strace $0x9FFFFFFF  }
0xc3: {  	(tm) =	ssettm $0x7FFFFFFF  }
tec
execute0_lowered:
.L_overlay_start_1:
0x0: {  	(tag) =	ssettag $0x1  }
0x1: {  	s0 =	srdreg.scid;
	s1 =	rddreg [dreg:$0x0]  }
0x2: {  	s10 =	stileid.u32;
	s2 =	rddreg [dreg:$0x1];
	s4 =	simm.s32 $0x0  }
0x3: {  	s12 =	simm.s32 $0x2780;
	s14 =	simm.s32 $0x9;
	s15 =	simm.s32 $0x1  }
0x4: {  	s16 =	simm.s32 $0x2;
	s17 =	simm.s32 $0x28;
	s18 =	simm.s32 $0x6780  }
0x5: {  	s19 =	simm.s32 $0x7B80;
	s20 =	simm.s32 $0x3;
	s28 =	simm.s32 $0x5  }
0x6: {  	s29 =	simm.s32 $0x2880;
	s30 =	simm.s32 $0x7;
	s31 =	simm.s32 $0x0  }
0x7: {  	s0 =	sand.u32 $0x1, s0;
	s3 =	sshll.u32 s10, $0x1;
	s7 =	smul.u32 $0x14000, s10  }
0x8: {  	[smem:$0x7FF] =	sst s4;
	s21 =	smul.u32 $0x50000, s10;
	s25 =	sshll.u32 s10, $0x6  }
0x9: {  	s5 =	sor.u32 s0, s3;
	s3 =	rddreg [dreg:$0x2];
	s8 =	smul.u32 $0x140000, s0  }
0xa: {  	_ =	strace $0x8000004A;
	s0 =	ssub.s32 $0x2, s0;
	s6 =	smul.u32 $0x4E2, s5  }
0xb: {  	s5 =	sshll.u32 s5, $0xC;
	s9 =	sshrl.u32 s7, $0x3;
	s22 =	sshrl.u32 s0, $0x1  }
0xc: {  	s23 =	sshrl.u32 s21, $0x2;
	s21 =	simm.s32 $0x6580;
	s5 =	sadd.s32 s5, s1  }
0xd: {  	s7 =	sadd.s32 s7, s8;
	s9 =	sadd.s32 s9, s1;
	s0 =	ssub.s32 s0, s22  }
0xe: {  	s8 =	sor.u32 $0x1C09, s25;
	s22 =	simm.s32 $0x8F80;
	s25 =	simm.s32 $0x6  }
0xf: {  	s6 =	sadd.s32 s6, s1;
	s7 =	sshrl.u32 s7, $0x3;
	s24 =	sadd.s32 $0x83800, s5  }
0x10: {  	s26 =	sadd.s32 $0xB800, s9;
	s9 =	sadd.s32 $0x84000, s5;
	s11 =	smax.u32 s0, $0x1  }
0x11: {  	s0 =	simm.s32 $0x6500;
	s1 =	sadd.s32 s7, s1;
	[dreg:$0x5] =	wrdreg s24  }
0x12: {  	s6 =	sadd.s32 $0x1600, s6;
	[dreg:$0x6] =	wrdreg s26;
	s24 =	simm.s32 $0x2800  }
0x13: {  	[dreg:$0x4] =	wrdreg s6;
	s6 =	sadd.s32 s23, s3;
	s10 =	sadd.s32 $0xA3800, s1  }
0x14: {  	s23 =	simm.s32 $0x4;
	s1 =	simm.s32 $0x8;
	s13 =	sshrl.u32 s6, $0x3  }
.LBB2_1:
0x15: {  	s5 =	rddreg [dreg:$0x4]  }
0x16: {  	s26 =	rddreg [dreg:$0x5]  }
0x17: {  	[tilespmem:s4], [sflag:$0x1] =	stream.linear.gather [hbm4b:s5+s4], $0x2710, $0x38;
	[tilespmem:$0x1E380] =	vst v63  }
0x18: {  	s6 =	rddreg [dreg:$0x6]  }
0x19: {  	[tilespmem:s12], [sflag:$0x2] =	stream.linear.gather [hbm4b:s26+s4], $0x3E80, $0x38;
	[tilespmem:$0x1E380] =	vst v63  }
0x1a: {  	[spmem:s13], [sflag:s8] =	dma.local [hbm:s6], $0x2800  }
0x1b: {  	_ =	swait.ge [sflag:s14], $0x2800  }
0x1c: {  	[sflag:s14] =	ssyncset.done $0x0  }
0x1d: {  	[sflag:s14] =	ssyncadd.s32 $0xFFFFD800  }
0x1e: {  	_ =	swait.ge [sflag:s15], $0x2710  }
0x1f: {  	[sflag:s15] =	ssyncset.done $0x0  }
0x20: {  	[sflag:s15] =	ssyncadd.s32 $0xFFFFD8F0  }
0x21: {  	_ =	swait.ge [sflag:s16], $0x3E80  }
0x22: {  	[sflag:s16] =	ssyncset.done $0x0  }
0x23: {  	[sflag:s16] =	ssyncadd.s32 $0xFFFFC180  }
0x24: {  	[bflag:$0x0] =	sbarrier.arrive $0xFFFF  }
0x25: {  	[tilespmem:s18], [sflag:$0x3] =	stream.indirect.gather [hbm4b:s2+s17], $0x80, s4, s17, $0xb8;
	[tilespmem:$0x1E380] =	vst v63  }
0x26: {  	_ = 	snop  }
0x27: {  	[tilespmem:s19], [sflag:$0x4] =	stream.indirect.gather [hbm4b:s2+s17], $0x80, s17, s17, $0xb8;
	[tilespmem:$0x1E380] =	vst v63  }
0x28: {  	_ =	swait.ge [sflag:s20], $0x1400  }
0x29: {  	[sflag:s20] =	ssyncset.done $0x0  }
0x2a: {  	[sflag:s20] =	ssyncadd.s32 $0xFFFFEC00  }
0x2b: {  	[spmem:s3] =	stream.indirect.scatter.add.f32 [tilespmem:s18], [sflag:$0x6], $0x80, s12, s17, $0xb8;
	[tilespmem:$0x1E380] =	vst v63  }
0x2c: {  	s7 =	simm.s32 $0x50  }
0x2d: {  	[tilespmem:s22], [sflag:$0x5] =	stream.indirect.gather [hbm4b:s2+s17], $0x80, s7, s17, $0xb8;
	[tilespmem:$0x1E380] =	vst v63  }
0x2e: {  	_ =	swait.ge [sflag:s23], $0x1400  }
0x2f: {  	[sflag:s23] =	ssyncset.done $0x0  }
0x30: {  	[sflag:s23] =	ssyncadd.s32 $0xFFFFEC00  }
0x31: {  	[spmem:s3] =	stream.indirect.scatter.add.f32 [tilespmem:s19], [sflag:$0x7], $0x80, s24, s17, $0xb8;
	[tilespmem:$0x1E380] =	vst v63  }
0x32: {  	_ =	swait.ge [sflag:s25], $0x1400  }
0x33: {  	[sflag:s25] =	ssyncset.done $0x0  }
0x34: {  	s26 =	simm.s32 $0x78;
	[sflag:s25] =	ssyncadd.s32 $0xFFFFEC00  }
0x35: {  	[tilespmem:s18], [sflag:$0x3] =	stream.indirect.gather [hbm4b:s2+s17], $0x80, s26, s17, $0xb8;
	[tilespmem:$0x1E380] =	vst v63  }
0x36: {  	_ =	swait.ge [sflag:s28], $0x1400  }
0x37: {  	[sflag:s28] =	ssyncset.done $0x0  }
0x38: {  	[sflag:s28] =	ssyncadd.s32 $0xFFFFEC00  }
0x39: {  	[spmem:s3] =	stream.indirect.scatter.add.f32 [tilespmem:s22], [sflag:$0x8], $0x80, s29, s17, $0xb8;
	[tilespmem:$0x1E380] =	vst v63  }
0x3a: {  	_ =	swait.ge [sflag:s30], $0x1400  }
0x3b: {  	[sflag:s30] =	ssyncset.done $0x0  }
0x3c: {  	s6 =	simm.s32 $0xA0;
	[sflag:s30] =	ssyncadd.s32 $0xFFFFEC00  }
0x3d: {  	[tilespmem:s19], [sflag:$0x4] =	stream.indirect.gather [hbm4b:s2+s17], $0x80, s6, s17, $0xb8;
	[tilespmem:$0x1E380] =	vst v63  }
0x3e: {  	_ =	swait.ge [sflag:s20], $0x1400  }
0x3f: {  	[sflag:s20] =	ssyncset.done $0x0  }
0x40: {  	s7 =	simm.s32 $0x2900;
	[sflag:s20] =	ssyncadd.s32 $0xFFFFEC00  }
0x41: {  	[spmem:s3] =	stream.indirect.scatter.add.f32 [tilespmem:s18], [sflag:$0x6], $0x80, s7, s17, $0xb8;
	[tilespmem:$0x1E380] =	vst v63  }
0x42: {  	_ =	swait.ge [sflag:s1], $0x1400  }
0x43: {  	[sflag:s1] =	ssyncset.done $0x0  }
0x44: {  	s26 =	simm.s32 $0xC8;
	[sflag:s1] =	ssyncadd.s32 $0xFFFFEC00  }
0x45: {  	[tilespmem:s22], [sflag:$0x5] =	stream.indirect.gather [hbm4b:s2+s17], $0x80, s26, s17, $0xb8;
	[tilespmem:$0x1E380] =	vst v63  }
0x46: {  	_ =	swait.ge [sflag:s23], $0x1400  }
0x47: {  	[sflag:s23] =	ssyncset.done $0x0  }
0x48: {  	s6 =	simm.s32 $0x2980;
	[sflag:s23] =	ssyncadd.s32 $0xFFFFEC00  }
0x49: {  	[spmem:s3] =	stream.indirect.scatter.add.f32 [tilespmem:s19], [sflag:$0x7], $0x80, s6, s17, $0xb8;
	[tilespmem:$0x1E380] =	vst v63  }
0x4a: {  	_ =	swait.ge [sflag:s25], $0x1400  }
0x4b: {  	[sflag:s25] =	ssyncset.done $0x0  }
0x4c: {  	s7 =	simm.s32 $0xF0;
	[sflag:s25] =	ssyncadd.s32 $0xFFFFEC00  }
0x4d: {  	[tilespmem:s18], [sflag:$0x3] =	stream.indirect.gather [hbm4b:s2+s17], $0x80, s7, s17, $0xb8;
	[tilespmem:$0x1E380] =	vst v63  }
0x4e: {  	_ =	swait.ge [sflag:s28], $0x1400  }
0x4f: {  	[sflag:s28] =	ssyncset.done $0x0  }
0x50: {  	s26 =	simm.s32 $0x2A00;
	[sflag:s28] =	ssyncadd.s32 $0xFFFFEC00  }
0x51: {  	[spmem:s3] =	stream.indirect.scatter.add.f32 [tilespmem:s22], [sflag:$0x8], $0x80, s26, s17, $0xb8;
	[tilespmem:$0x1E380] =	vst v63  }
0x52: {  	_ =	swait.ge [sflag:s30], $0x1400  }
0x53: {  	s5 =	simm.s32 $0x2B80;
	[sflag:s30] =	ssyncset.done $0x0  }
0x54: {  	s6 =	simm.s32 $0x118;
	s26 =	simm.s32 $0x1E0;
	[sflag:s30] =	ssyncadd.s32 $0xFFFFEC00  }
.LBB2_2:
0x55: {  	[tilespmem:s19], [sflag:$0x4] =	stream.indirect.gather [hbm4b:s2+s17], $0x80, s6, s17, $0xb8;
	[tilespmem:$0x1E380] =	vst v63  }
0x56: {  	s6 =	smov.u32 s26  }
0x57: {  	p0 =	sne.s32 s26, $0x4920;
	s26 =	sadd.s32 $0x1E0, s26;
	_ =	swait.ge [sflag:s20], $0x1400  }
0x58: {  	[sflag:s20] =	ssyncset.done $0x0  }
0x59: {  	s7 =	sadd.s32 $0xFFFFFF00, s5;
	[sflag:s20] =	ssyncadd.s32 $0xFFFFEC00  }
0x5a: {  	[spmem:s3] =	stream.indirect.scatter.add.f32 [tilespmem:s18], [sflag:$0x6], $0x80, s7, s17, $0xb8;
	[tilespmem:$0x1E380] =	vst v63  }
0x5b: {  	_ =	swait.ge [sflag:s1], $0x1400  }
0x5c: {  	s6 =	sshra.s32 s6, $0x2;
	[sflag:s1] =	ssyncset.done $0x0  }
0x5d: {  	s7 =	sadd.s32 $0xC8, s6;
	[sflag:s1] =	ssyncadd.s32 $0xFFFFEC00  }
0x5e: {  	[tilespmem:s22], [sflag:$0x5] =	stream.indirect.gather [hbm4b:s2+s17], $0x80, s7, s17, $0xb8;
	[tilespmem:$0x1E380] =	vst v63  }
0x5f: {  	_ =	swait.ge [sflag:s23], $0x1400  }
0x60: {  	[sflag:s23] =	ssyncset.done $0x0  }
0x61: {  	s7 =	sadd.s32 $0xFFFFFF80, s5;
	[sflag:s23] =	ssyncadd.s32 $0xFFFFEC00  }
0x62: {  	[spmem:s3] =	stream.indirect.scatter.add.f32 [tilespmem:s19], [sflag:$0x7], $0x80, s7, s17, $0xb8;
	[tilespmem:$0x1E380] =	vst v63  }
0x63: {  	_ =	swait.ge [sflag:s25], $0x1400  }
0x64: {  	[sflag:s25] =	ssyncset.done $0x0  }
0x65: {  	s7 =	sadd.s32 $0xF0, s6;
	[sflag:s25] =	ssyncadd.s32 $0xFFFFEC00  }
0x66: {  	[tilespmem:s18], [sflag:$0x3] =	stream.indirect.gather [hbm4b:s2+s17], $0x80, s7, s17, $0xb8;
	[tilespmem:$0x1E380] =	vst v63  }
0x67: {  	_ =	swait.ge [sflag:s28], $0x1400  }
0x68: {  	[sflag:s28] =	ssyncset.done $0x0  }
.Ltmp0:
0x69: {  	[sflag:s28] =	ssyncadd.s32 $0xFFFFEC00;
	(pc) =	sbr.rel @p0 .LBB2_2-.Ltmp0, $4  }
0x6a: {  	[spmem:s3] =	stream.indirect.scatter.add.f32 [tilespmem:s22], [sflag:$0x8], $0x80, s5, s17, $0xb8;
	[tilespmem:$0x1E380] =	vst v63  }
0x6b: {  	_ =	swait.ge [sflag:s30], $0x1400  }
0x6c: {  	[sflag:s30] =	ssyncset.done $0x0  }
0x6d: {  	s6 =	sadd.s32 $0x118, s6;
	s5 =	sadd.s32 $0x180, s5;
	[sflag:s30] =	ssyncadd.s32 $0xFFFFEC00  }
0x6e: {  	[tilespmem:s19], [sflag:$0x4] =	stream.indirect.gather [hbm4b:s2+s17], $0x80, s6, s17, $0xb8;
	[tilespmem:$0x1E380] =	vst v63  }
0x6f: {  	_ =	swait.ge [sflag:s20], $0x1400  }
0x70: {  	[sflag:s20] =	ssyncset.done $0x0  }
0x71: {  	[sflag:s20] =	ssyncadd.s32 $0xFFFFEC00  }
0x72: {  	[spmem:s3] =	stream.indirect.scatter.add.f32 [tilespmem:s18], [sflag:$0x6], $0x80, s0, s17, $0xb8;
	[tilespmem:$0x1E380] =	vst v63  }
0x73: {  	_ =	swait.ge [sflag:s1], $0x1400  }
0x74: {  	[sflag:s1] =	ssyncset.done $0x0  }
0x75: {  	[sflag:s1] =	ssyncadd.s32 $0xFFFFEC00  }
0x76: {  	_ =	swait.ge [sflag:s23], $0x1400  }
0x77: {  	[sflag:s23] =	ssyncset.done $0x0  }
0x78: {  	[sflag:s23] =	ssyncadd.s32 $0xFFFFEC00  }
0x79: {  	[spmem:s3] =	stream.indirect.scatter.add.f32 [tilespmem:s19], [sflag:$0x7], $0x80, s21, s17, $0xb8;
	[tilespmem:$0x1E380] =	vst v63  }
0x7a: {  	_ =	swait.ge [sflag:s25], $0x1400  }
0x7b: {  	[sflag:s25] =	ssyncset.done $0x0  }
0x7c: {  	[sflag:s25] =	ssyncadd.s32 $0xFFFFEC00  }
0x7d: {  	_ =	swait.ge [sflag:s30], $0x1400  }
0x7e: {  	[sflag:s30] =	ssyncset.done $0x0  }
0x7f: {  	s5 =	simm.s32 $0x0;
	[sflag:s30] =	ssyncadd.s32 $0xFFFFEC00  }
0x80: {  	[tilespmem:s12], [sflag:$0x9] =	stream.linear.gather [hbm4b:s9+s5], $0x3E80, $0x38;
	[tilespmem:$0x1E380] =	vst v63  }
0x81: {  	_ =	swait.ge [sflag:s14], $0x3E80  }
0x82: {  	[sflag:s14] =	ssyncset.done $0x0  }
0x83: {  	s26 =	simm.s32 $0x1388;
	[sflag:s14] =	ssyncadd.s32 $0xFFFFC180  }
0x84: {  	[tilespmem:s18], [sflag:$0x3] =	stream.indirect.gather [hbm4b:s2+s17], $0x80, s26, s17, $0xb8;
	[tilespmem:$0x1E380] =	vst v63  }
0x85: {  	s6 =	simm.s32 $0x13B0  }
0x86: {  	[tilespmem:s19], [sflag:$0x4] =	stream.indirect.gather [hbm4b:s2+s17], $0x80, s6, s17, $0xb8;
	[tilespmem:$0x1E380] =	vst v63  }
0x87: {  	_ =	swait.ge [sflag:s20], $0x1400  }
0x88: {  	[sflag:s20] =	ssyncset.done $0x0  }
0x89: {  	[sflag:s20] =	ssyncadd.s32 $0xFFFFEC00  }
0x8a: {  	[spmem:s3] =	stream.indirect.scatter.add.f32 [tilespmem:s18], [sflag:$0x6], $0x80, s12, s17, $0xb8;
	[tilespmem:$0x1E380] =	vst v63  }
0x8b: {  	s7 =	simm.s32 $0x13D8  }
0x8c: {  	[tilespmem:s22], [sflag:$0x5] =	stream.indirect.gather [hbm4b:s2+s17], $0x80, s7, s17, $0xb8;
	[tilespmem:$0x1E380] =	vst v63  }
0x8d: {  	_ =	swait.ge [sflag:s23], $0x1400  }
0x8e: {  	[sflag:s23] =	ssyncset.done $0x0  }
0x8f: {  	[sflag:s23] =	ssyncadd.s32 $0xFFFFEC00  }
0x90: {  	[spmem:s3] =	stream.indirect.scatter.add.f32 [tilespmem:s19], [sflag:$0x7], $0x80, s24, s17, $0xb8;
	[tilespmem:$0x1E380] =	vst v63  }
0x91: {  	_ =	swait.ge [sflag:s25], $0x1400  }
0x92: {  	[sflag:s25] =	ssyncset.done $0x0  }
0x93: {  	s26 =	simm.s32 $0x1400;
	[sflag:s25] =	ssyncadd.s32 $0xFFFFEC00  }
0x94: {  	[tilespmem:s18], [sflag:$0x3] =	stream.indirect.gather [hbm4b:s2+s17], $0x80, s26, s17, $0xb8;
	[tilespmem:$0x1E380] =	vst v63  }
0x95: {  	_ =	swait.ge [sflag:s28], $0x1400  }
0x96: {  	[sflag:s28] =	ssyncset.done $0x0  }
0x97: {  	[sflag:s28] =	ssyncadd.s32 $0xFFFFEC00  }
0x98: {  	[spmem:s3] =	stream.indirect.scatter.add.f32 [tilespmem:s22], [sflag:$0x8], $0x80, s29, s17, $0xb8;
	[tilespmem:$0x1E380] =	vst v63  }
0x99: {  	_ =	swait.ge [sflag:s30], $0x1400  }
0x9a: {  	[sflag:s30] =	ssyncset.done $0x0  }
0x9b: {  	s6 =	simm.s32 $0x1428;
	[sflag:s30] =	ssyncadd.s32 $0xFFFFEC00  }
0x9c: {  	[tilespmem:s19], [sflag:$0x4] =	stream.indirect.gather [hbm4b:s2+s17], $0x80, s6, s17, $0xb8;
	[tilespmem:$0x1E380] =	vst v63  }
0x9d: {  	_ =	swait.ge [sflag:s20], $0x1400  }
0x9e: {  	[sflag:s20] =	ssyncset.done $0x0  }
0x9f: {  	s7 =	simm.s32 $0x2900;
	[sflag:s20] =	ssyncadd.s32 $0xFFFFEC00  }
0xa0: {  	[spmem:s3] =	stream.indirect.scatter.add.f32 [tilespmem:s18], [sflag:$0x6], $0x80, s7, s17, $0xb8;
	[tilespmem:$0x1E380] =	vst v63  }
0xa1: {  	_ =	swait.ge [sflag:s1], $0x1400  }
0xa2: {  	[sflag:s1] =	ssyncset.done $0x0  }
0xa3: {  	s26 =	simm.s32 $0x1450;
	[sflag:s1] =	ssyncadd.s32 $0xFFFFEC00  }
0xa4: {  	[tilespmem:s22], [sflag:$0x5] =	stream.indirect.gather [hbm4b:s2+s17], $0x80, s26, s17, $0xb8;
	[tilespmem:$0x1E380] =	vst v63  }
0xa5: {  	_ =	swait.ge [sflag:s23], $0x1400  }
0xa6: {  	[sflag:s23] =	ssyncset.done $0x0  }
0xa7: {  	s6 =	simm.s32 $0x2980;
	[sflag:s23] =	ssyncadd.s32 $0xFFFFEC00  }
0xa8: {  	[spmem:s3] =	stream.indirect.scatter.add.f32 [tilespmem:s19], [sflag:$0x7], $0x80, s6, s17, $0xb8;
	[tilespmem:$0x1E380] =	vst v63  }
0xa9: {  	_ =	swait.ge [sflag:s25], $0x1400  }
0xaa: {  	[sflag:s25] =	ssyncset.done $0x0  }
0xab: {  	s7 =	simm.s32 $0x1478;
	[sflag:s25] =	ssyncadd.s32 $0xFFFFEC00  }
0xac: {  	[tilespmem:s18], [sflag:$0x3] =	stream.indirect.gather [hbm4b:s2+s17], $0x80, s7, s17, $0xb8;
	[tilespmem:$0x1E380] =	vst v63  }
0xad: {  	_ =	swait.ge [sflag:s28], $0x1400  }
0xae: {  	[sflag:s28] =	ssyncset.done $0x0  }
0xaf: {  	s26 =	simm.s32 $0x2A00;
	[sflag:s28] =	ssyncadd.s32 $0xFFFFEC00  }
0xb0: {  	[spmem:s3] =	stream.indirect.scatter.add.f32 [tilespmem:s22], [sflag:$0x8], $0x80, s26, s17, $0xb8;
	[tilespmem:$0x1E380] =	vst v63  }
0xb1: {  	_ =	swait.ge [sflag:s30], $0x1400  }
0xb2: {  	s5 =	simm.s32 $0x2B80;
	[sflag:s30] =	ssyncset.done $0x0  }
0xb3: {  	s6 =	simm.s32 $0x14A0;
	s26 =	simm.s32 $0x1E0;
	[sflag:s30] =	ssyncadd.s32 $0xFFFFEC00  }
.LBB2_4:
0xb4: {  	[tilespmem:s19], [sflag:$0x4] =	stream.indirect.gather [hbm4b:s2+s17], $0x80, s6, s17, $0xb8;
	[tilespmem:$0x1E380] =	vst v63  }
0xb5: {  	s6 =	smov.u32 s26  }
0xb6: {  	p0 =	sne.s32 s26, $0x4920;
	s26 =	sadd.s32 $0x1E0, s26;
	_ =	swait.ge [sflag:s20], $0x1400  }
0xb7: {  	[sflag:s20] =	ssyncset.done $0x0  }
0xb8: {  	s7 =	sadd.s32 $0xFFFFFF00, s5;
	[sflag:s20] =	ssyncadd.s32 $0xFFFFEC00  }
0xb9: {  	[spmem:s3] =	stream.indirect.scatter.add.f32 [tilespmem:s18], [sflag:$0x6], $0x80, s7, s17, $0xb8;
	[tilespmem:$0x1E380] =	vst v63  }
0xba: {  	_ =	swait.ge [sflag:s1], $0x1400  }
0xbb: {  	s6 =	sshra.s32 s6, $0x2;
	[sflag:s1] =	ssyncset.done $0x0  }
0xbc: {  	s7 =	sadd.s32 $0x1450, s6;
	[sflag:s1] =	ssyncadd.s32 $0xFFFFEC00  }
0xbd: {  	[tilespmem:s22], [sflag:$0x5] =	stream.indirect.gather [hbm4b:s2+s17], $0x80, s7, s17, $0xb8;
	[tilespmem:$0x1E380] =	vst v63  }
0xbe: {  	_ =	swait.ge [sflag:s23], $0x1400  }
0xbf: {  	[sflag:s23] =	ssyncset.done $0x0  }
0xc0: {  	s7 =	sadd.s32 $0xFFFFFF80, s5;
	[sflag:s23] =	ssyncadd.s32 $0xFFFFEC00  }
0xc1: {  	[spmem:s3] =	stream.indirect.scatter.add.f32 [tilespmem:s19], [sflag:$0x7], $0x80, s7, s17, $0xb8;
	[tilespmem:$0x1E380] =	vst v63  }
0xc2: {  	_ =	swait.ge [sflag:s25], $0x1400  }
0xc3: {  	[sflag:s25] =	ssyncset.done $0x0  }
0xc4: {  	s7 =	sadd.s32 $0x1478, s6;
	[sflag:s25] =	ssyncadd.s32 $0xFFFFEC00  }
0xc5: {  	[tilespmem:s18], [sflag:$0x3] =	stream.indirect.gather [hbm4b:s2+s17], $0x80, s7, s17, $0xb8;
	[tilespmem:$0x1E380] =	vst v63  }
0xc6: {  	_ =	swait.ge [sflag:s28], $0x1400  }
0xc7: {  	[sflag:s28] =	ssyncset.done $0x0  }
.Ltmp1:
0xc8: {  	[sflag:s28] =	ssyncadd.s32 $0xFFFFEC00;
	(pc) =	sbr.rel @p0 .LBB2_4-.Ltmp1, $4  }
0xc9: {  	[spmem:s3] =	stream.indirect.scatter.add.f32 [tilespmem:s22], [sflag:$0x8], $0x80, s5, s17, $0xb8;
	[tilespmem:$0x1E380] =	vst v63  }
0xca: {  	_ =	swait.ge [sflag:s30], $0x1400  }
0xcb: {  	[sflag:s30] =	ssyncset.done $0x0  }
0xcc: {  	s6 =	sadd.s32 $0x14A0, s6;
	s5 =	sadd.s32 $0x180, s5;
	[sflag:s30] =	ssyncadd.s32 $0xFFFFEC00  }
0xcd: {  	[tilespmem:s19], [sflag:$0x4] =	stream.indirect.gather [hbm4b:s2+s17], $0x80, s6, s17, $0xb8;
	[tilespmem:$0x1E380] =	vst v63  }
0xce: {  	_ =	swait.ge [sflag:s20], $0x1400  }
0xcf: {  	[sflag:s20] =	ssyncset.done $0x0  }
0xd0: {  	[sflag:s20] =	ssyncadd.s32 $0xFFFFEC00  }
0xd1: {  	[spmem:s3] =	stream.indirect.scatter.add.f32 [tilespmem:s18], [sflag:$0x6], $0x80, s0, s17, $0xb8;
	[tilespmem:$0x1E380] =	vst v63  }
0xd2: {  	_ =	swait.ge [sflag:s1], $0x1400  }
0xd3: {  	[sflag:s1] =	ssyncset.done $0x0  }
0xd4: {  	[sflag:s1] =	ssyncadd.s32 $0xFFFFEC00  }
0xd5: {  	_ =	swait.ge [sflag:s23], $0x1400  }
0xd6: {  	[sflag:s23] =	ssyncset.done $0x0  }
0xd7: {  	[sflag:s23] =	ssyncadd.s32 $0xFFFFEC00  }
0xd8: {  	[spmem:s3] =	stream.indirect.scatter.add.f32 [tilespmem:s19], [sflag:$0x7], $0x80, s21, s17, $0xb8;
	[tilespmem:$0x1E380] =	vst v63  }
0xd9: {  	_ =	swait.ge [sflag:s25], $0x1400  }
0xda: {  	[sflag:s25] =	ssyncset.done $0x0  }
0xdb: {  	[sflag:s25] =	ssyncadd.s32 $0xFFFFEC00  }
0xdc: {  	_ =	swait.ge [sflag:s30], $0x1400  }
0xdd: {  	s31 =	sadd.s32 $0x1, s31;
	[sflag:s30] =	ssyncset.done $0x0  }
0xde: {  	p0 =	sne.s32 s31, s11;
	[sflag:s30] =	ssyncadd.s32 $0xFFFFEC00  }
.Ltmp2:
0xdf: {  	[bflag:$0x0] =	sbarrier.arrive $0xFFFF;
	(pc) =	sbr.rel @p0 .LBB2_1-.Ltmp2, $4  }
0xe0: {  	[hbm:s10], [sflag:s8] =	dma.local [spmem:s13], $0x2800  }
0xe1: {  	_ =	swait.ge [sflag:s14], $0x2800  }
0xe2: {  	[sflag:s14] =	ssyncset.done $0x0  }
0xe3: {  	[sflag:s14] =	ssyncadd.s32 $0xFFFFD800  }
0xe4: {  	_ =	sfence.sel $0x180000  }
0xe5: {  	[bflag:$0x0] =	sbarrier.arrive $0xFFFF  }
0xe6: {  	_ =	strace $0x9000004A  }
0xe7: {  	s0 =	stileid.u32;
	[bflag:$0x2] =	sbarrier.arrive $0xFFFF  }
0xe8: {  	p0 =	sne.s32 s0, $0x0;
	s0 =	rddreg [dreg:$0x3]  }
0xe9: {  	s0 =	sadd.s32 @!p0 $0x100000, s0  }
0xea: {  	[sflag:s0] =	ssyncadd.tile.s32 @!p0 $0x1;
	_ =	shalt  }
.Lfunc_end2:
_tile_overlayer_lowered:
.L_overlay_start_2:
0xeb: {  	(tag) =	ssettag $0x2  }
0xec: {  	s0 =	rddreg [dreg:$0x0];
	s2 =	stileid.u32  }
0xed: {  	s1 =	rddreg [dreg:$0x1];
	p0 =	sne.s32 s2, $0x0  }
0xee: {  	s3 =	rddreg [dreg:$0x2];
	[bflag:$0x3] =	sbarrier.arrive $0xFFFF;
	s2 =	simm.s32 @!p0 $0x1C09  }
0xef: {  	[timem:s3], [sflag:s2] =	dma.local @!p0 [hbm:s0], s1  }
0xf0: {  	s0 =	simm.s32 @!p0 $0x9  }
0xf1: {  	_ =	swait.ge @!p0 [sflag:s0], s1  }
0xf2: {  	s1 =	ssub.s32 @!p0 $0x0, s1;
	[sflag:s0] =	ssyncset.done @!p0 $0x0  }
0xf3: {  	[sflag:s0] =	ssyncadd.s32 @!p0 s1  }
0xf4: {  	[bflag:$0x3] =	sbarrier.arrive $0xFFFF  }
0xf5: {  	_ =	shalt  }

</sc_bundles>
